<compile_context>
chip_gen: v7x
topology: tpu7x:2x2x1
jax: 0.10.2.dev20260603
libtpu: 0.0.44.dev20260713+nightly
codegen_flags: <defaults>
</compile_context>

<pallas_src>
import functools

import jax
import jax.numpy as jnp
from jax import lax
from jax.experimental import pallas as pl
from jax.experimental.pallas import tpu as pltpu
from jax.experimental.pallas import tpu_sc as plsc

_N = 10000
_E = 320000
_H = 128
_B = 64

_NC = 2
_NS = 16
_NW = _NC * _NS
_K = 80
_EPW = _E // _NW
_ITERS = _EPW // _K
_NA = _N
_STRIPE = 624
_STRIPE_LAST = _N - 15 * _STRIPE


@functools.lru_cache(maxsize=None)
def _make_sc_agg():
    mesh = plsc.VectorSubcoreMesh(core_axis_name="c", subcore_axis_name="s")

    @functools.partial(
        pl.kernel,
        mesh=mesh,
        out_type=jax.ShapeDtypeStruct((_NC, _N, _H), jnp.float32),
        scratch_types=[
            pltpu.VMEM((_ITERS, _K), jnp.int32),
            pltpu.VMEM((_ITERS, _K), jnp.int32),
            pltpu.VMEM((_K, _H), jnp.float32),
            pltpu.VMEM_SHARED((_NA, _H), jnp.float32),
            pltpu.SemaphoreType.DMA,
        ],
    )
    def agg(h_hbm, src_hbm, dst_hbm, zeros_hbm, out_hbm,
            src_v, dst_v, rows_v, acc_sh, sem_g):
        c = lax.axis_index("c")
        s = lax.axis_index("s")
        wid = s * _NC + c
        r0 = s * _STRIPE

        @pl.when(s < _NS - 1)
        def _():
            pltpu.sync_copy(zeros_hbm.at[pl.ds(0, _STRIPE)],
                            acc_sh.at[pl.ds(r0, _STRIPE)])

        @pl.when(s == _NS - 1)
        def _():
            pltpu.sync_copy(zeros_hbm, acc_sh.at[pl.ds(r0, _STRIPE_LAST)])

        pltpu.sync_copy(src_hbm.at[wid], src_v)
        pltpu.sync_copy(dst_hbm.at[wid], dst_v)
        plsc.subcore_barrier()

        def body(j, carry):
            pltpu.async_copy(h_hbm.at[src_v.at[j]], rows_v, sem_g).wait()
            pltpu.sync_copy(rows_v, acc_sh.at[dst_v.at[j]], add=True)
            return carry

        lax.fori_loop(0, _ITERS, body, 0)
        plsc.subcore_barrier()

        @pl.when(s < _NS - 1)
        def _():
            pltpu.sync_copy(acc_sh.at[pl.ds(r0, _STRIPE)],
                            out_hbm.at[c, pl.ds(r0, _STRIPE)])

        @pl.when(s == _NS - 1)
        def _():
            pltpu.sync_copy(acc_sh.at[pl.ds(r0, _STRIPE_LAST)],
                            out_hbm.at[c, pl.ds(r0, _STRIPE_LAST)])

    return agg


def _sc_aggregate(h, src, dst, zeros):
    return _make_sc_agg()(h, src, dst, zeros)


_EB = 16000
_NEB = _E // _EB
_Q = 80


def _deg_body(d1_ref, d2_ref, out_ref, acc_s):
    i = pl.program_id(0)

    @pl.when(i == 0)
    def _():
        acc_s[...] = jnp.zeros_like(acc_s)

    q = d1_ref[0] // 128
    r = d2_ref[0] % 128
    oq = (lax.broadcasted_iota(jnp.int32, (_Q, _EB), 0)
          == jnp.broadcast_to(q, (_Q, _EB))).astype(jnp.bfloat16)
    orr = (lax.broadcasted_iota(jnp.int32, (_EB, 128), 1)
           == jnp.broadcast_to(r, (_EB, 128))).astype(jnp.bfloat16)
    acc_s[...] += jnp.dot(oq, orr, preferred_element_type=jnp.float32)

    @pl.when(i == _NEB - 1)
    def _():
        out_ref[...] = acc_s[...]


def _tc_deg(d1, d2):
    return pl.pallas_call(
        _deg_body,
        grid=(_NEB,),
        in_specs=[
            pl.BlockSpec((1, 1, _EB), lambda i: (i, 0, 0)),
            pl.BlockSpec((1, _EB, 1), lambda i: (i, 0, 0)),
        ],
        out_specs=pl.BlockSpec((_Q, 128), lambda i: (0, 0)),
        out_shape=jax.ShapeDtypeStruct((_Q, 128), jnp.float32),
        scratch_shapes=[pltpu.VMEM((_Q, 128), jnp.float32)],
    )(d1, d2)


_R = 1000
_NB = _N // _R


def _norm_factors(st_ref):
    mu = st_ref[0:1, :] * (1.0 / _N)
    var = st_ref[1:2, :] * (1.0 / _N) - mu * mu
    rstd = jax.lax.rsqrt(var + 1e-5)
    return mu, rstd


def _layer_body(p_ref, d_ref, h_ref, wl_ref, bl_ref, wr_ref, y_ref, st_ref,
                st_s):
    i = pl.program_id(0)
    scale = 1.0 / jnp.maximum(d_ref[...], 1.0)
    agg = (p_ref[0] + p_ref[1]) * scale
    y = jnp.dot(agg, wl_ref[...], preferred_element_type=jnp.float32)
    y += jnp.dot(h_ref[...], wr_ref[...], preferred_element_type=jnp.float32)
    y = jnp.maximum(y + bl_ref[...], 0.0)
    y_ref[...] = y

    @pl.when(i == 0)
    def _():
        st_s[...] = jnp.zeros_like(st_s)

    st_s[0:1, :] += jnp.sum(y, axis=0, keepdims=True)
    st_s[1:2, :] += jnp.sum(y * y, axis=0, keepdims=True)

    @pl.when(i == _NB - 1)
    def _():
        st_ref[...] = st_s[...]


def _tc_layer(p, deg2d, h, wl, bl, wr):
    return pl.pallas_call(
        _layer_body,
        grid=(_NB,),
        in_specs=[
            pl.BlockSpec((2, _R, _H), lambda i: (0, i, 0)),
            pl.BlockSpec((_R, 1), lambda i: (i, 0)),
            pl.BlockSpec((_R, _H), lambda i: (i, 0)),
            pl.BlockSpec((_H, _H), lambda i: (0, 0)),
            pl.BlockSpec((1, _H), lambda i: (0, 0)),
            pl.BlockSpec((_H, _H), lambda i: (0, 0)),
        ],
        out_specs=[
            pl.BlockSpec((_R, _H), lambda i: (i, 0)),
            pl.BlockSpec((2, _H), lambda i: (0, 0)),
        ],
        out_shape=[
            jax.ShapeDtypeStruct((_N, _H), jnp.float32),
            jax.ShapeDtypeStruct((2, _H), jnp.float32),
        ],
        scratch_shapes=[pltpu.VMEM((2, _H), jnp.float32)],
    )(p, deg2d, h, wl, bl.reshape(1, _H), wr)


def _norm_body(y_ref, st_ref, g_ref, be_ref, out_ref):
    mu, rstd = _norm_factors(st_ref)
    out_ref[...] = (y_ref[...] - mu) * rstd * g_ref[...] + be_ref[...]


def _tc_norm(y, st, g, be):
    return pl.pallas_call(
        _norm_body,
        grid=(_NB,),
        in_specs=[
            pl.BlockSpec((_R, _H), lambda i: (i, 0)),
            pl.BlockSpec((2, _H), lambda i: (0, 0)),
            pl.BlockSpec((1, _H), lambda i: (0, 0)),
            pl.BlockSpec((1, _H), lambda i: (0, 0)),
        ],
        out_specs=pl.BlockSpec((_R, _H), lambda i: (i, 0)),
        out_shape=jax.ShapeDtypeStruct((_N, _H), jnp.float32),
    )(y, st, g.reshape(1, _H), be.reshape(1, _H))


def _poolhead_body(first_ref, batch_s, y_ref, st_ref, g_ref, be_ref, b2d_ref,
                   w1_ref, b1_ref, w2_ref, b2_ref, out_ref,
                   maxs_s, sums_s, cnt_s, x3_s):
    maxs_s[...] = jnp.full_like(maxs_s, -jnp.inf)
    sums_s[...] = jnp.zeros_like(sums_s)
    cnt_s[...] = jnp.zeros_like(cnt_s)
    mu, rstd = _norm_factors(st_ref)
    gv = g_ref[...]
    bev = be_ref[...]

    def blk(i, carry):
        hv = (y_ref[pl.ds(i * _R, _R), :] - mu) * rstd * gv + bev
        bv = b2d_ref[pl.ds(i * _R, _R), :]
        bmin = batch_s[i * _R]
        bmax = batch_s[i * _R + _R - 1]

        def seg(b, carry2):
            mask = bv == b
            mx = jnp.max(jnp.where(mask, hv, -jnp.inf), axis=0, keepdims=True)
            sm = jnp.sum(jnp.where(mask, hv, 0.0), axis=0, keepdims=True)
            ct = jnp.sum(mask.astype(jnp.float32))
            maxs_s[pl.ds(b, 1), :] = jnp.maximum(maxs_s[pl.ds(b, 1), :], mx)
            sums_s[pl.ds(b, 1), :] += sm
            cnt_s[pl.ds(b, 1), :] += ct
            return carry2

        lax.fori_loop(bmin, bmax + 1, seg, 0)
        return carry

    lax.fori_loop(0, _NB, blk, 0)

    def gather(i, carry):
        r = first_ref[i]
        x3_s[pl.ds(i, 1), :] = y_ref[pl.ds(r, 1), :]
        return carry

    lax.fori_loop(0, _B, gather, 0)
    x3 = (x3_s[...] - mu) * rstd * gv + bev
    xmean = sums_s[...] / jnp.maximum(cnt_s[...], 1.0)
    z = jnp.concatenate([maxs_s[...], xmean, x3], axis=1)
    z = jnp.dot(z, w1_ref[...], preferred_element_type=jnp.float32) + b1_ref[...]
    z = jnp.dot(z, w2_ref[...], preferred_element_type=jnp.float32) + b2_ref[...]
    m = jnp.max(z, axis=1, keepdims=True)
    lse = jnp.log(jnp.sum(jnp.exp(z - m), axis=1, keepdims=True)) + m
    out_ref[...] = z - lse


def _tc_poolhead(first, batch1d, y, st, g, be, batch2d, w1, b1, w2, b2):
    nout = b2.shape[0]
    return pl.pallas_call(
        _poolhead_body,
        in_specs=[
            pl.BlockSpec(memory_space=pltpu.SMEM),
            pl.BlockSpec(memory_space=pltpu.SMEM),
            pl.BlockSpec((_N, _H), lambda: (0, 0)),
            pl.BlockSpec((2, _H), lambda: (0, 0)),
            pl.BlockSpec((1, _H), lambda: (0, 0)),
            pl.BlockSpec((1, _H), lambda: (0, 0)),
            pl.BlockSpec((_N, 1), lambda: (0, 0)),
            pl.BlockSpec((3 * _H, 3 * _H), lambda: (0, 0)),
            pl.BlockSpec((1, 3 * _H), lambda: (0, 0)),
            pl.BlockSpec((3 * _H, nout), lambda: (0, 0)),
            pl.BlockSpec((1, nout), lambda: (0, 0)),
        ],
        out_specs=pl.BlockSpec((_B, nout), lambda: (0, 0)),
        out_shape=jax.ShapeDtypeStruct((_B, nout), jnp.float32),
        scratch_shapes=[
            pltpu.VMEM((_B, _H), jnp.float32),
            pltpu.VMEM((_B, _H), jnp.float32),
            pltpu.VMEM((_B, _H), jnp.float32),
            pltpu.VMEM((_B, _H), jnp.float32),
        ],
    )(first, batch1d, y, st, g.reshape(1, _H), be.reshape(1, _H), batch2d,
      w1, b1.reshape(1, -1), w2, b2.reshape(1, -1))


def kernel(x, edge_index, batch, Wl0, bl0, Wr0, g0, be0, Wl1, bl1, Wr1, g1,
           be1, W1, b1, W2, b2):
    srcf = edge_index[0].astype(jnp.int32)
    dstf = edge_index[1].astype(jnp.int32)
    src = srcf.reshape(_NW, _ITERS, _K)
    dst = dstf.reshape(_NW, _ITERS, _K)
    zeros128 = jnp.zeros((_STRIPE_LAST, _H), jnp.float32)

    degqr = _tc_deg(dstf.reshape(_NEB, 1, _EB), dstf.reshape(_NEB, _EB, 1))
    deg2d = degqr.reshape(_Q * 128, 1)[:_N]

    p0 = _sc_aggregate(x, src, dst, zeros128)
    y0, st0 = _tc_layer(p0, deg2d, x, Wl0, bl0, Wr0)
    h1 = _tc_norm(y0, st0, g0, be0)

    p1 = _sc_aggregate(h1, src, dst, zeros128)
    y1, st1 = _tc_layer(p1, deg2d, h1, Wl1, bl1, Wr1)

    batch1d = batch.astype(jnp.int32)
    batch2d = batch1d.reshape(_N, 1)
    first = jnp.searchsorted(batch1d,
                             jnp.arange(_B, dtype=jnp.int32)).astype(jnp.int32)
    return _tc_poolhead(first, batch1d, y1, st1, g1, be1, batch2d,
                        W1, b1, W2, b2)

# --- scband reference (transcript-rebuilt; emitter-appended) ---
"""Pipeline reference for scband-gnnstack-17214228922756 (READ-ONLY COPY).

The authoritative reference and input builder live on the scoring server;
editing this copy changes nothing except your own understanding.
"""

import jax, jax.numpy as jnp
import numpy as np

N = 10000
E = 320000
D = 128
H = 128
B = 64
OUT = 10


def setup_inputs(seed: int = 0):
    key = jax.random.key(seed)
    ks = jax.random.split(key, 20)
    inp = {}
    inp['x'] = jax.random.normal(ks[0], (N, D), dtype=jnp.float32)
    inp['edge_index'] = jax.random.randint(ks[1], (2, E), 0, N)
    inp['batch'] = jnp.sort(jax.random.randint(ks[2], (N,), 0, B))

    def lin(k, fan_in, fan_out):
        s = 1.0 / np.sqrt(fan_in)
        return jax.random.uniform(k, (fan_in, fan_out), minval=-s, maxval=s, dtype=jnp.float32)

    dims = [D, H]
    for i in range(2):
        di = dims[i]
        inp['Wl%d' % i] = lin(ks[3 + 4 * i], di, H)
        inp['bl%d' % i] = jnp.zeros((H,), dtype=jnp.float32)
        inp['Wr%d' % i] = lin(ks[4 + 4 * i], di, H)
        inp['g%d' % i] = jnp.ones((H,), dtype=jnp.float32)
        inp['be%d' % i] = jnp.zeros((H,), dtype=jnp.float32)
    inp['W1'] = lin(ks[12], 3 * H, 3 * H)
    inp['b1'] = jnp.zeros((3 * H,), dtype=jnp.float32)
    inp['W2'] = lin(ks[13], 3 * H, OUT)
    inp['b2'] = jnp.zeros((OUT,), dtype=jnp.float32)
    return inp


def _bn(x, g, b):
    mu = jnp.mean(x, axis=0)
    var = jnp.var(x, axis=0)
    return (x - mu) / jnp.sqrt(var + 1e-5) * g + b


def _sage(x, src, dst, Wl, bl, Wr):
    msgs = x[src]
    agg = jax.ops.segment_sum(msgs, dst, num_segments=N)
    deg = jax.ops.segment_sum(jnp.ones((src.shape[0],), dtype=x.dtype), dst, num_segments=N)
    agg = agg / jnp.maximum(deg, 1.0)[:, None]
    return agg @ Wl + bl + x @ Wr


def reference(x, edge_index, batch, Wl0, bl0, Wr0, g0, be0, Wl1, bl1, Wr1, g1, be1, W1, b1, W2, b2):
    src, dst = edge_index[0], edge_index[1]
    params = [(Wl0, bl0, Wr0, g0, be0), (Wl1, bl1, Wr1, g1, be1)]
    h = x
    for (Wl, bl, Wr, g, be) in params:
        h = _sage(h, src, dst, Wl, bl, Wr)
        h = jax.nn.relu(h)
        h = _bn(h, g, be)
    x1 = jax.ops.segment_max(h, batch, num_segments=B)
    cnt = jax.ops.segment_sum(jnp.ones((N,), dtype=h.dtype), batch, num_segments=B)
    x2 = jax.ops.segment_sum(h, batch, num_segments=B) / jnp.maximum(cnt, 1.0)[:, None]
    first = jnp.searchsorted(batch, jnp.arange(B))
    x3 = h[first]
    z = jnp.concatenate([x1, x2, x3], axis=1)
    z = z @ W1 + b1
    z = z @ W2 + b2
    return jax.nn.log_softmax(z, axis=1)

if __name__ == "__main__":
    import jax
    _d = setup_inputs()
    print(jax.jit(kernel)(*tuple(_d.values())))

</pallas_src>

<mosaic_0001>
#map = affine_map<(d0, d1) -> (0, 0)>
#map1 = affine_map<(d0, d1) -> (0, 0, 0)>
module attributes {stable_mosaic.version = 14 : i64} {
  func.func @agg(%arg0: i32, %arg1: i32, %arg2: memref<10000x128xf32, #tpu.memory_space<hbm>>, %arg3: memref<32x125x80xi32, #tpu.memory_space<hbm>>, %arg4: memref<32x125x80xi32, #tpu.memory_space<hbm>>, %arg5: memref<640x128xf32, #tpu.memory_space<hbm>>, %arg6: memref<2x10000x128xf32, #tpu.memory_space<hbm>>, %arg7: memref<125x80xi32, #tpu.memory_space<vmem>>, %arg8: memref<125x80xi32, #tpu.memory_space<vmem>>, %arg9: memref<80x128xf32, #tpu.memory_space<vmem>>, %arg10: memref<10000x128xf32, #tpu.memory_space<vmem_shared>>, %arg11: memref<!tpu.dma_semaphore, #tpu.memory_space<semaphore_mem>>) attributes {dimension_semantics = [#tpu.dimension_semantics<core_parallel>, #tpu.dimension_semantics<subcore_parallel>], iteration_bounds = array<i64: 2, 16>, scalar_prefetch = 0 : i64, scratch_operands = 5 : i64, tpu.core_type = #tpu.core_type<sc_vector_subcore>, window_params = [{transform_indices = #map}, {transform_indices = #map1}, {transform_indices = #map1}, {transform_indices = #map}, {transform_indices = #map1}]} {
    %mul3A = arith.constant 2 : i32
    %mul3A_0 = arith.muli %arg1, %mul3A : i32
    %add3A = arith.addi %mul3A_0, %arg0 : i32
    %mul3A_1 = arith.constant 624 : i32
    %mul3A_2 = arith.muli %arg1, %mul3A_1 : i32
    %lt3A = arith.constant 15 : i32
    %lt3A_3 = arith.cmpi slt, %arg1, %lt3A : i32
    %convert_element_type3A = arith.extui %lt3A_3 : i1 to i32
    %cond3A = arith.constant 0 : i32
    %cond3A_4 = arith.cmpi ne, %convert_element_type3A, %cond3A : i32
    scf.if %cond3A_4 {
      "tpu.region"() ({
        %run_scoped3A = tpu.sem_alloc : memref<!tpu.dma_semaphore, #tpu.memory_space<semaphore_mem>>
        %dma_start3A = arith.constant 0 : i32
        %dma_start3A_25 = tpu.memref_slice %arg10[%mul3A_2, %dma_start3A] : memref<10000x128xf32, #tpu.memory_space<vmem_shared>> -> memref<624x128xf32, #tpu.memory_space<vmem_shared>>
        %dma_start3A_26 = arith.constant 0 : i32
        %dma_start3A_27 = arith.constant 0 : i32
        %dma_start3A_28 = tpu.memref_slice %arg5[%dma_start3A_26, %dma_start3A_27] : memref<640x128xf32, #tpu.memory_space<hbm>> -> memref<624x128xf32, #tpu.memory_space<hbm>>
        tpu.enqueue_dma source(%dma_start3A_28 : memref<624x128xf32, #tpu.memory_space<hbm>>) target(%dma_start3A_25 : memref<624x128xf32, #tpu.memory_space<vmem_shared>>) target_semaphore(%run_scoped3A : memref<!tpu.dma_semaphore, #tpu.memory_space<semaphore_mem>>)
        %dma_wait3A = arith.constant 0 : i32
        %dma_wait3A_29 = tpu.memref_slice %arg10[%mul3A_2, %dma_wait3A] : memref<10000x128xf32, #tpu.memory_space<vmem_shared>> -> memref<624x128xf32, #tpu.memory_space<vmem_shared>>
        %dma_wait3A_30 = arith.constant 0 : i32
        %dma_wait3A_31 = arith.constant 0 : i32
        %dma_wait3A_32 = tpu.memref_slice %arg5[%dma_wait3A_30, %dma_wait3A_31] : memref<640x128xf32, #tpu.memory_space<hbm>> -> memref<624x128xf32, #tpu.memory_space<hbm>>
        tpu.wait_dma2 semaphore(%run_scoped3A : memref<!tpu.dma_semaphore, #tpu.memory_space<semaphore_mem>>) src(%dma_wait3A_32 : memref<624x128xf32, #tpu.memory_space<hbm>>) dst(%dma_wait3A_29 : memref<624x128xf32, #tpu.memory_space<vmem_shared>>)
        tpu.yield
      }) : () -> ()
    } else {
    }
    %eq3A = arith.constant 15 : i32
    %eq3A_5 = arith.cmpi eq, %arg1, %eq3A : i32
    %convert_element_type3A_6 = arith.extui %eq3A_5 : i1 to i32
    %cond3A_7 = arith.constant 0 : i32
    %cond3A_8 = arith.cmpi ne, %convert_element_type3A_6, %cond3A_7 : i32
    scf.if %cond3A_8 {
      "tpu.region"() ({
        %run_scoped3A = tpu.sem_alloc : memref<!tpu.dma_semaphore, #tpu.memory_space<semaphore_mem>>
        %dma_start3A = arith.constant 0 : i32
        %dma_start3A_25 = tpu.memref_slice %arg10[%mul3A_2, %dma_start3A] : memref<10000x128xf32, #tpu.memory_space<vmem_shared>> -> memref<640x128xf32, #tpu.memory_space<vmem_shared>>
        tpu.enqueue_dma source(%arg5 : memref<640x128xf32, #tpu.memory_space<hbm>>) target(%dma_start3A_25 : memref<640x128xf32, #tpu.memory_space<vmem_shared>>) target_semaphore(%run_scoped3A : memref<!tpu.dma_semaphore, #tpu.memory_space<semaphore_mem>>)
        %dma_wait3A = arith.constant 0 : i32
        %dma_wait3A_26 = tpu.memref_slice %arg10[%mul3A_2, %dma_wait3A] : memref<10000x128xf32, #tpu.memory_space<vmem_shared>> -> memref<640x128xf32, #tpu.memory_space<vmem_shared>>
        tpu.wait_dma2 semaphore(%run_scoped3A : memref<!tpu.dma_semaphore, #tpu.memory_space<semaphore_mem>>) src(%arg5 : memref<640x128xf32, #tpu.memory_space<hbm>>) dst(%dma_wait3A_26 : memref<640x128xf32, #tpu.memory_space<vmem_shared>>)
        tpu.yield
      }) : () -> ()
    } else {
    }
    "tpu.region"() ({
      %run_scoped3A = tpu.sem_alloc : memref<!tpu.dma_semaphore, #tpu.memory_space<semaphore_mem>>
      %dma_start3A = arith.constant 0 : i32
      %dma_start3A_25 = arith.constant 0 : i32
      %dma_start3A_26 = tpu.memref_slice %arg3[%add3A, %dma_start3A, %dma_start3A_25] : memref<32x125x80xi32, #tpu.memory_space<hbm>> -> memref<1x125x80xi32, #tpu.memory_space<hbm>>
      %dma_start3A_27 = tpu.memref_squeeze %dma_start3A_26 : memref<1x125x80xi32, #tpu.memory_space<hbm>> -> memref<125x80xi32, #tpu.memory_space<hbm>>
      %dma_start3A_28 = arith.constant 0 : i32
      %dma_start3A_29 = arith.constant 0 : i32
      %dma_start3A_30 = tpu.memref_slice %arg3[%add3A, %dma_start3A_28, %dma_start3A_29] : memref<32x125x80xi32, #tpu.memory_space<hbm>> -> memref<1x125x80xi32, #tpu.memory_space<hbm>>
      %dma_start3A_31 = tpu.memref_squeeze %dma_start3A_30 : memref<1x125x80xi32, #tpu.memory_space<hbm>> -> memref<125x80xi32, #tpu.memory_space<hbm>>
      tpu.enqueue_dma source(%dma_start3A_31 : memref<125x80xi32, #tpu.memory_space<hbm>>) target(%arg7 : memref<125x80xi32, #tpu.memory_space<vmem>>) target_semaphore(%run_scoped3A : memref<!tpu.dma_semaphore, #tpu.memory_space<semaphore_mem>>)
      %dma_wait3A = arith.constant 0 : i32
      %dma_wait3A_32 = arith.constant 0 : i32
      %dma_wait3A_33 = tpu.memref_slice %arg3[%add3A, %dma_wait3A, %dma_wait3A_32] : memref<32x125x80xi32, #tpu.memory_space<hbm>> -> memref<1x125x80xi32, #tpu.memory_space<hbm>>
      %dma_wait3A_34 = tpu.memref_squeeze %dma_wait3A_33 : memref<1x125x80xi32, #tpu.memory_space<hbm>> -> memref<125x80xi32, #tpu.memory_space<hbm>>
      %dma_wait3A_35 = arith.constant 0 : i32
      %dma_wait3A_36 = arith.constant 0 : i32
      %dma_wait3A_37 = tpu.memref_slice %arg3[%add3A, %dma_wait3A_35, %dma_wait3A_36] : memref<32x125x80xi32, #tpu.memory_space<hbm>> -> memref<1x125x80xi32, #tpu.memory_space<hbm>>
      %dma_wait3A_38 = tpu.memref_squeeze %dma_wait3A_37 : memref<1x125x80xi32, #tpu.memory_space<hbm>> -> memref<125x80xi32, #tpu.memory_space<hbm>>
      tpu.wait_dma2 semaphore(%run_scoped3A : memref<!tpu.dma_semaphore, #tpu.memory_space<semaphore_mem>>) src(%dma_wait3A_38 : memref<125x80xi32, #tpu.memory_space<hbm>>) dst(%arg7 : memref<125x80xi32, #tpu.memory_space<vmem>>)
      tpu.yield
    }) : () -> ()
    "tpu.region"() ({
      %run_scoped3A = tpu.sem_alloc : memref<!tpu.dma_semaphore, #tpu.memory_space<semaphore_mem>>
      %dma_start3A = arith.constant 0 : i32
      %dma_start3A_25 = arith.constant 0 : i32
      %dma_start3A_26 = tpu.memref_slice %arg4[%add3A, %dma_start3A, %dma_start3A_25] : memref<32x125x80xi32, #tpu.memory_space<hbm>> -> memref<1x125x80xi32, #tpu.memory_space<hbm>>
      %dma_start3A_27 = tpu.memref_squeeze %dma_start3A_26 : memref<1x125x80xi32, #tpu.memory_space<hbm>> -> memref<125x80xi32, #tpu.memory_space<hbm>>
      %dma_start3A_28 = arith.constant 0 : i32
      %dma_start3A_29 = arith.constant 0 : i32
      %dma_start3A_30 = tpu.memref_slice %arg4[%add3A, %dma_start3A_28, %dma_start3A_29] : memref<32x125x80xi32, #tpu.memory_space<hbm>> -> memref<1x125x80xi32, #tpu.memory_space<hbm>>
      %dma_start3A_31 = tpu.memref_squeeze %dma_start3A_30 : memref<1x125x80xi32, #tpu.memory_space<hbm>> -> memref<125x80xi32, #tpu.memory_space<hbm>>
      tpu.enqueue_dma source(%dma_start3A_31 : memref<125x80xi32, #tpu.memory_space<hbm>>) target(%arg8 : memref<125x80xi32, #tpu.memory_space<vmem>>) target_semaphore(%run_scoped3A : memref<!tpu.dma_semaphore, #tpu.memory_space<semaphore_mem>>)
      %dma_wait3A = arith.constant 0 : i32
      %dma_wait3A_32 = arith.constant 0 : i32
      %dma_wait3A_33 = tpu.memref_slice %arg4[%add3A, %dma_wait3A, %dma_wait3A_32] : memref<32x125x80xi32, #tpu.memory_space<hbm>> -> memref<1x125x80xi32, #tpu.memory_space<hbm>>
      %dma_wait3A_34 = tpu.memref_squeeze %dma_wait3A_33 : memref<1x125x80xi32, #tpu.memory_space<hbm>> -> memref<125x80xi32, #tpu.memory_space<hbm>>
      %dma_wait3A_35 = arith.constant 0 : i32
      %dma_wait3A_36 = arith.constant 0 : i32
      %dma_wait3A_37 = tpu.memref_slice %arg4[%add3A, %dma_wait3A_35, %dma_wait3A_36] : memref<32x125x80xi32, #tpu.memory_space<hbm>> -> memref<1x125x80xi32, #tpu.memory_space<hbm>>
      %dma_wait3A_38 = tpu.memref_squeeze %dma_wait3A_37 : memref<1x125x80xi32, #tpu.memory_space<hbm>> -> memref<125x80xi32, #tpu.memory_space<hbm>>
      tpu.wait_dma2 semaphore(%run_scoped3A : memref<!tpu.dma_semaphore, #tpu.memory_space<semaphore_mem>>) src(%dma_wait3A_38 : memref<125x80xi32, #tpu.memory_space<hbm>>) dst(%arg8 : memref<125x80xi32, #tpu.memory_space<vmem>>)
      tpu.yield
    }) : () -> ()
    %barrier3A = arith.constant 0 : index
    tpu.barrier barrier_id(%barrier3A)
    %scan3A = arith.constant 0 : i32
    %scan3A_9 = arith.constant 0 : i32
    %scan3A_10 = arith.constant 125 : i32
    %scan3A_11 = arith.addi %scan3A_9, %scan3A_10 : i32
    %scan3A_12 = arith.constant 1 : i32
    scf.for %scan3A_25 = %scan3A_9 to %scan3A_11 step %scan3A_12  : i32 {
      %dma_start3A = arith.constant 0 : i32
      %dma_start3A_26 = tpu.memref_slice %arg7[%scan3A_25, %dma_start3A] : memref<125x80xi32, #tpu.memory_space<vmem>> -> memref<1x80xi32, #tpu.memory_space<vmem>>
      %dma_start3A_27 = tpu.memref_squeeze %dma_start3A_26 : memref<1x80xi32, #tpu.memory_space<vmem>> -> memref<80xi32, #tpu.memory_space<vmem>>
      %dma_start3A_28 = arith.constant 0 : i32
      %dma_start3A_29 = arith.constant 0 : i32
      %dma_start3A_30 = tpu.memref_slice %arg2[%dma_start3A_28, %dma_start3A_29] : memref<10000x128xf32, #tpu.memory_space<hbm>> -> memref<10000x128xf32, #tpu.memory_space<hbm>>
      tpu.enqueue_indirect_dma source(%dma_start3A_30 : memref<10000x128xf32, #tpu.memory_space<hbm>>) target(%arg9 : memref<80x128xf32, #tpu.memory_space<vmem>>) offsets(%dma_start3A_27 : memref<80xi32, #tpu.memory_space<vmem>>) semaphore(%arg11 : memref<!tpu.dma_semaphore, #tpu.memory_space<semaphore_mem>>)
      %dma_wait3A = arith.constant 0 : i32
      %dma_wait3A_31 = tpu.memref_slice %arg7[%scan3A_25, %dma_wait3A] : memref<125x80xi32, #tpu.memory_space<vmem>> -> memref<1x80xi32, #tpu.memory_space<vmem>>
      %dma_wait3A_32 = tpu.memref_squeeze %dma_wait3A_31 : memref<1x80xi32, #tpu.memory_space<vmem>> -> memref<80xi32, #tpu.memory_space<vmem>>
      %dma_wait3A_33 = arith.constant 0 : i32
      %dma_wait3A_34 = arith.constant 0 : i32
      %dma_wait3A_35 = tpu.memref_slice %arg2[%dma_wait3A_33, %dma_wait3A_34] : memref<10000x128xf32, #tpu.memory_space<hbm>> -> memref<10000x128xf32, #tpu.memory_space<hbm>>
      tpu.wait_indirect_dma semaphore(%arg11 : memref<!tpu.dma_semaphore, #tpu.memory_space<semaphore_mem>>) src(%dma_wait3A_35 : memref<10000x128xf32, #tpu.memory_space<hbm>>) dst(%arg9 : memref<80x128xf32, #tpu.memory_space<vmem>>)
      "tpu.region"() ({
        %run_scoped3A = tpu.sem_alloc : memref<!tpu.dma_semaphore, #tpu.memory_space<semaphore_mem>>
        %dma_start3A_36 = arith.constant 0 : i32
        %dma_start3A_37 = tpu.memref_slice %arg8[%scan3A_25, %dma_start3A_36] : memref<125x80xi32, #tpu.memory_space<vmem>> -> memref<1x80xi32, #tpu.memory_space<vmem>>
        %dma_start3A_38 = tpu.memref_squeeze %dma_start3A_37 : memref<1x80xi32, #tpu.memory_space<vmem>> -> memref<80xi32, #tpu.memory_space<vmem>>
        %dma_start3A_39 = arith.constant 0 : i32
        %dma_start3A_40 = arith.constant 0 : i32
        %dma_start3A_41 = tpu.memref_slice %arg10[%dma_start3A_39, %dma_start3A_40] : memref<10000x128xf32, #tpu.memory_space<vmem_shared>> -> memref<10000x128xf32, #tpu.memory_space<vmem_shared>>
        tpu.enqueue_indirect_dma source(%arg9 : memref<80x128xf32, #tpu.memory_space<vmem>>) target(%dma_start3A_41 : memref<10000x128xf32, #tpu.memory_space<vmem_shared>>) offsets(%dma_start3A_38 : memref<80xi32, #tpu.memory_space<vmem>>) semaphore(%run_scoped3A : memref<!tpu.dma_semaphore, #tpu.memory_space<semaphore_mem>>) {add = true}
        %dma_wait3A_42 = arith.constant 0 : i32
        %dma_wait3A_43 = tpu.memref_slice %arg8[%scan3A_25, %dma_wait3A_42] : memref<125x80xi32, #tpu.memory_space<vmem>> -> memref<1x80xi32, #tpu.memory_space<vmem>>
        %dma_wait3A_44 = tpu.memref_squeeze %dma_wait3A_43 : memref<1x80xi32, #tpu.memory_space<vmem>> -> memref<80xi32, #tpu.memory_space<vmem>>
        %dma_wait3A_45 = arith.constant 0 : i32
        %dma_wait3A_46 = arith.constant 0 : i32
        %dma_wait3A_47 = tpu.memref_slice %arg10[%dma_wait3A_45, %dma_wait3A_46] : memref<10000x128xf32, #tpu.memory_space<vmem_shared>> -> memref<10000x128xf32, #tpu.memory_space<vmem_shared>>
        tpu.wait_indirect_dma semaphore(%run_scoped3A : memref<!tpu.dma_semaphore, #tpu.memory_space<semaphore_mem>>) src(%arg9 : memref<80x128xf32, #tpu.memory_space<vmem>>) dst(%dma_wait3A_47 : memref<10000x128xf32, #tpu.memory_space<vmem_shared>>)
        tpu.yield
      }) : () -> ()
    }
    %scan3A_13 = arith.constant 125 : i32
    %barrier3A_14 = arith.constant 0 : index
    tpu.barrier barrier_id(%barrier3A_14)
    %lt3A_15 = arith.constant 15 : i32
    %lt3A_16 = arith.cmpi slt, %arg1, %lt3A_15 : i32
    %convert_element_type3A_17 = arith.extui %lt3A_16 : i1 to i32
    %cond3A_18 = arith.constant 0 : i32
    %cond3A_19 = arith.cmpi ne, %convert_element_type3A_17, %cond3A_18 : i32
    scf.if %cond3A_19 {
      "tpu.region"() ({
        %run_scoped3A = tpu.sem_alloc : memref<!tpu.dma_semaphore, #tpu.memory_space<semaphore_mem>>
        %dma_start3A = arith.constant 0 : i32
        %dma_start3A_25 = tpu.memref_slice %arg6[%arg0, %mul3A_2, %dma_start3A] : memref<2x10000x128xf32, #tpu.memory_space<hbm>> -> memref<1x624x128xf32, #tpu.memory_space<hbm>>
        %dma_start3A_26 = tpu.memref_squeeze %dma_start3A_25 : memref<1x624x128xf32, #tpu.memory_space<hbm>> -> memref<624x128xf32, #tpu.memory_space<hbm>>
        %dma_start3A_27 = arith.constant 0 : i32
        %dma_start3A_28 = tpu.memref_slice %arg10[%mul3A_2, %dma_start3A_27] : memref<10000x128xf32, #tpu.memory_space<vmem_shared>> -> memref<624x128xf32, #tpu.memory_space<vmem_shared>>
        tpu.enqueue_dma source(%dma_start3A_28 : memref<624x128xf32, #tpu.memory_space<vmem_shared>>) target(%dma_start3A_26 : memref<624x128xf32, #tpu.memory_space<hbm>>) target_semaphore(%run_scoped3A : memref<!tpu.dma_semaphore, #tpu.memory_space<semaphore_mem>>)
        %dma_wait3A = arith.constant 0 : i32
        %dma_wait3A_29 = tpu.memref_slice %arg6[%arg0, %mul3A_2, %dma_wait3A] : memref<2x10000x128xf32, #tpu.memory_space<hbm>> -> memref<1x624x128xf32, #tpu.memory_space<hbm>>
        %dma_wait3A_30 = tpu.memref_squeeze %dma_wait3A_29 : memref<1x624x128xf32, #tpu.memory_space<hbm>> -> memref<624x128xf32, #tpu.memory_space<hbm>>
        %dma_wait3A_31 = arith.constant 0 : i32
        %dma_wait3A_32 = tpu.memref_slice %arg10[%mul3A_2, %dma_wait3A_31] : memref<10000x128xf32, #tpu.memory_space<vmem_shared>> -> memref<624x128xf32, #tpu.memory_space<vmem_shared>>
        tpu.wait_dma2 semaphore(%run_scoped3A : memref<!tpu.dma_semaphore, #tpu.memory_space<semaphore_mem>>) src(%dma_wait3A_32 : memref<624x128xf32, #tpu.memory_space<vmem_shared>>) dst(%dma_wait3A_30 : memref<624x128xf32, #tpu.memory_space<hbm>>)
        tpu.yield
      }) : () -> ()
    } else {
    }
    %eq3A_20 = arith.constant 15 : i32
    %eq3A_21 = arith.cmpi eq, %arg1, %eq3A_20 : i32
    %convert_element_type3A_22 = arith.extui %eq3A_21 : i1 to i32
    %cond3A_23 = arith.constant 0 : i32
    %cond3A_24 = arith.cmpi ne, %convert_element_type3A_22, %cond3A_23 : i32
    scf.if %cond3A_24 {
      "tpu.region"() ({
        %run_scoped3A = tpu.sem_alloc : memref<!tpu.dma_semaphore, #tpu.memory_space<semaphore_mem>>
        %dma_start3A = arith.constant 0 : i32
        %dma_start3A_25 = tpu.memref_slice %arg6[%arg0, %mul3A_2, %dma_start3A] : memref<2x10000x128xf32, #tpu.memory_space<hbm>> -> memref<1x640x128xf32, #tpu.memory_space<hbm>>
        %dma_start3A_26 = tpu.memref_squeeze %dma_start3A_25 : memref<1x640x128xf32, #tpu.memory_space<hbm>> -> memref<640x128xf32, #tpu.memory_space<hbm>>
        %dma_start3A_27 = arith.constant 0 : i32
        %dma_start3A_28 = tpu.memref_slice %arg10[%mul3A_2, %dma_start3A_27] : memref<10000x128xf32, #tpu.memory_space<vmem_shared>> -> memref<640x128xf32, #tpu.memory_space<vmem_shared>>
        tpu.enqueue_dma source(%dma_start3A_28 : memref<640x128xf32, #tpu.memory_space<vmem_shared>>) target(%dma_start3A_26 : memref<640x128xf32, #tpu.memory_space<hbm>>) target_semaphore(%run_scoped3A : memref<!tpu.dma_semaphore, #tpu.memory_space<semaphore_mem>>)
        %dma_wait3A = arith.constant 0 : i32
        %dma_wait3A_29 = tpu.memref_slice %arg6[%arg0, %mul3A_2, %dma_wait3A] : memref<2x10000x128xf32, #tpu.memory_space<hbm>> -> memref<1x640x128xf32, #tpu.memory_space<hbm>>
        %dma_wait3A_30 = tpu.memref_squeeze %dma_wait3A_29 : memref<1x640x128xf32, #tpu.memory_space<hbm>> -> memref<640x128xf32, #tpu.memory_space<hbm>>
        %dma_wait3A_31 = arith.constant 0 : i32
        %dma_wait3A_32 = tpu.memref_slice %arg10[%mul3A_2, %dma_wait3A_31] : memref<10000x128xf32, #tpu.memory_space<vmem_shared>> -> memref<640x128xf32, #tpu.memory_space<vmem_shared>>
        tpu.wait_dma2 semaphore(%run_scoped3A : memref<!tpu.dma_semaphore, #tpu.memory_space<semaphore_mem>>) src(%dma_wait3A_32 : memref<640x128xf32, #tpu.memory_space<vmem_shared>>) dst(%dma_wait3A_30 : memref<640x128xf32, #tpu.memory_space<hbm>>)
        tpu.yield
      }) : () -> ()
    } else {
    }
    return
  }
}

#map = affine_map<(d0, d1) -> (0, 0)>
#map1 = affine_map<(d0, d1) -> (0, 0, 0)>
module attributes {stable_mosaic.version = 14 : i64} {
  func.func @agg(%arg0: i32, %arg1: i32, %arg2: memref<10000x128xf32, #tpu.memory_space<hbm>>, %arg3: memref<32x125x80xi32, #tpu.memory_space<hbm>>, %arg4: memref<32x125x80xi32, #tpu.memory_space<hbm>>, %arg5: memref<640x128xf32, #tpu.memory_space<hbm>>, %arg6: memref<2x10000x128xf32, #tpu.memory_space<hbm>>, %arg7: memref<125x80xi32, #tpu.memory_space<vmem>>, %arg8: memref<125x80xi32, #tpu.memory_space<vmem>>, %arg9: memref<80x128xf32, #tpu.memory_space<vmem>>, %arg10: memref<10000x128xf32, #tpu.memory_space<vmem_shared>>, %arg11: memref<!tpu.dma_semaphore, #tpu.memory_space<semaphore_mem>>) attributes {dimension_semantics = [#tpu.dimension_semantics<core_parallel>, #tpu.dimension_semantics<subcore_parallel>], iteration_bounds = array<i64: 2, 16>, scalar_prefetch = 0 : i64, scratch_operands = 5 : i64, tpu.core_type = #tpu.core_type<sc_vector_subcore>, window_params = [{transform_indices = #map}, {transform_indices = #map1}, {transform_indices = #map1}, {transform_indices = #map}, {transform_indices = #map1}]} {
    %mul3A = arith.constant 2 : i32
    %mul3A_0 = arith.muli %arg1, %mul3A : i32
    %add3A = arith.addi %mul3A_0, %arg0 : i32
    %mul3A_1 = arith.constant 624 : i32
    %mul3A_2 = arith.muli %arg1, %mul3A_1 : i32
    %lt3A = arith.constant 15 : i32
    %lt3A_3 = arith.cmpi slt, %arg1, %lt3A : i32
    %convert_element_type3A = arith.extui %lt3A_3 : i1 to i32
    %cond3A = arith.constant 0 : i32
    %cond3A_4 = arith.cmpi ne, %convert_element_type3A, %cond3A : i32
    scf.if %cond3A_4 {
      "tpu.region"() ({
        %run_scoped3A = tpu.sem_alloc : memref<!tpu.dma_semaphore, #tpu.memory_space<semaphore_mem>>
        %dma_start3A = arith.constant 0 : i32
        %dma_start3A_25 = tpu.memref_slice %arg10[%mul3A_2, %dma_start3A] : memref<10000x128xf32, #tpu.memory_space<vmem_shared>> -> memref<624x128xf32, #tpu.memory_space<vmem_shared>>
        %dma_start3A_26 = arith.constant 0 : i32
        %dma_start3A_27 = arith.constant 0 : i32
        %dma_start3A_28 = tpu.memref_slice %arg5[%dma_start3A_26, %dma_start3A_27] : memref<640x128xf32, #tpu.memory_space<hbm>> -> memref<624x128xf32, #tpu.memory_space<hbm>>
        tpu.enqueue_dma source(%dma_start3A_28 : memref<624x128xf32, #tpu.memory_space<hbm>>) target(%dma_start3A_25 : memref<624x128xf32, #tpu.memory_space<vmem_shared>>) target_semaphore(%run_scoped3A : memref<!tpu.dma_semaphore, #tpu.memory_space<semaphore_mem>>)
        %dma_wait3A = arith.constant 0 : i32
        %dma_wait3A_29 = tpu.memref_slice %arg10[%mul3A_2, %dma_wait3A] : memref<10000x128xf32, #tpu.memory_space<vmem_shared>> -> memref<624x128xf32, #tpu.memory_space<vmem_shared>>
        %dma_wait3A_30 = arith.constant 0 : i32
        %dma_wait3A_31 = arith.constant 0 : i32
        %dma_wait3A_32 = tpu.memref_slice %arg5[%dma_wait3A_30, %dma_wait3A_31] : memref<640x128xf32, #tpu.memory_space<hbm>> -> memref<624x128xf32, #tpu.memory_space<hbm>>
        tpu.wait_dma2 semaphore(%run_scoped3A : memref<!tpu.dma_semaphore, #tpu.memory_space<semaphore_mem>>) src(%dma_wait3A_32 : memref<624x128xf32, #tpu.memory_space<hbm>>) dst(%dma_wait3A_29 : memref<624x128xf32, #tpu.memory_space<vmem_shared>>)
        tpu.yield
      }) : () -> ()
    } else {
    }
    %eq3A = arith.constant 15 : i32
    %eq3A_5 = arith.cmpi eq, %arg1, %eq3A : i32
    %convert_element_type3A_6 = arith.extui %eq3A_5 : i1 to i32
    %cond3A_7 = arith.constant 0 : i32
    %cond3A_8 = arith.cmpi ne, %convert_element_type3A_6, %cond3A_7 : i32
    scf.if %cond3A_8 {
      "tpu.region"() ({
        %run_scoped3A = tpu.sem_alloc : memref<!tpu.dma_semaphore, #tpu.memory_space<semaphore_mem>>
        %dma_start3A = arith.constant 0 : i32
        %dma_start3A_25 = tpu.memref_slice %arg10[%mul3A_2, %dma_start3A] : memref<10000x128xf32, #tpu.memory_space<vmem_shared>> -> memref<640x128xf32, #tpu.memory_space<vmem_shared>>
        tpu.enqueue_dma source(%arg5 : memref<640x128xf32, #tpu.memory_space<hbm>>) target(%dma_start3A_25 : memref<640x128xf32, #tpu.memory_space<vmem_shared>>) target_semaphore(%run_scoped3A : memref<!tpu.dma_semaphore, #tpu.memory_space<semaphore_mem>>)
        %dma_wait3A = arith.constant 0 : i32
        %dma_wait3A_26 = tpu.memref_slice %arg10[%mul3A_2, %dma_wait3A] : memref<10000x128xf32, #tpu.memory_space<vmem_shared>> -> memref<640x128xf32, #tpu.memory_space<vmem_shared>>
        tpu.wait_dma2 semaphore(%run_scoped3A : memref<!tpu.dma_semaphore, #tpu.memory_space<semaphore_mem>>) src(%arg5 : memref<640x128xf32, #tpu.memory_space<hbm>>) dst(%dma_wait3A_26 : memref<640x128xf32, #tpu.memory_space<vmem_shared>>)
        tpu.yield
      }) : () -> ()
    } else {
    }
    "tpu.region"() ({
      %run_scoped3A = tpu.sem_alloc : memref<!tpu.dma_semaphore, #tpu.memory_space<semaphore_mem>>
      %dma_start3A = arith.constant 0 : i32
      %dma_start3A_25 = arith.constant 0 : i32
      %dma_start3A_26 = tpu.memref_slice %arg3[%add3A, %dma_start3A, %dma_start3A_25] : memref<32x125x80xi32, #tpu.memory_space<hbm>> -> memref<1x125x80xi32, #tpu.memory_space<hbm>>
      %dma_start3A_27 = tpu.memref_squeeze %dma_start3A_26 : memref<1x125x80xi32, #tpu.memory_space<hbm>> -> memref<125x80xi32, #tpu.memory_space<hbm>>
      %dma_start3A_28 = arith.constant 0 : i32
      %dma_start3A_29 = arith.constant 0 : i32
      %dma_start3A_30 = tpu.memref_slice %arg3[%add3A, %dma_start3A_28, %dma_start3A_29] : memref<32x125x80xi32, #tpu.memory_space<hbm>> -> memref<1x125x80xi32, #tpu.memory_space<hbm>>
      %dma_start3A_31 = tpu.memref_squeeze %dma_start3A_30 : memref<1x125x80xi32, #tpu.memory_space<hbm>> -> memref<125x80xi32, #tpu.memory_space<hbm>>
      tpu.enqueue_dma source(%dma_start3A_31 : memref<125x80xi32, #tpu.memory_space<hbm>>) target(%arg7 : memref<125x80xi32, #tpu.memory_space<vmem>>) target_semaphore(%run_scoped3A : memref<!tpu.dma_semaphore, #tpu.memory_space<semaphore_mem>>)
      %dma_wait3A = arith.constant 0 : i32
      %dma_wait3A_32 = arith.constant 0 : i32
      %dma_wait3A_33 = tpu.memref_slice %arg3[%add3A, %dma_wait3A, %dma_wait3A_32] : memref<32x125x80xi32, #tpu.memory_space<hbm>> -> memref<1x125x80xi32, #tpu.memory_space<hbm>>
      %dma_wait3A_34 = tpu.memref_squeeze %dma_wait3A_33 : memref<1x125x80xi32, #tpu.memory_space<hbm>> -> memref<125x80xi32, #tpu.memory_space<hbm>>
      %dma_wait3A_35 = arith.constant 0 : i32
      %dma_wait3A_36 = arith.constant 0 : i32
      %dma_wait3A_37 = tpu.memref_slice %arg3[%add3A, %dma_wait3A_35, %dma_wait3A_36] : memref<32x125x80xi32, #tpu.memory_space<hbm>> -> memref<1x125x80xi32, #tpu.memory_space<hbm>>
      %dma_wait3A_38 = tpu.memref_squeeze %dma_wait3A_37 : memref<1x125x80xi32, #tpu.memory_space<hbm>> -> memref<125x80xi32, #tpu.memory_space<hbm>>
      tpu.wait_dma2 semaphore(%run_scoped3A : memref<!tpu.dma_semaphore, #tpu.memory_space<semaphore_mem>>) src(%dma_wait3A_38 : memref<125x80xi32, #tpu.memory_space<hbm>>) dst(%arg7 : memref<125x80xi32, #tpu.memory_space<vmem>>)
      tpu.yield
    }) : () -> ()
    "tpu.region"() ({
      %run_scoped3A = tpu.sem_alloc : memref<!tpu.dma_semaphore, #tpu.memory_space<semaphore_mem>>
      %dma_start3A = arith.constant 0 : i32
      %dma_start3A_25 = arith.constant 0 : i32
      %dma_start3A_26 = tpu.memref_slice %arg4[%add3A, %dma_start3A, %dma_start3A_25] : memref<32x125x80xi32, #tpu.memory_space<hbm>> -> memref<1x125x80xi32, #tpu.memory_space<hbm>>
      %dma_start3A_27 = tpu.memref_squeeze %dma_start3A_26 : memref<1x125x80xi32, #tpu.memory_space<hbm>> -> memref<125x80xi32, #tpu.memory_space<hbm>>
      %dma_start3A_28 = arith.constant 0 : i32
      %dma_start3A_29 = arith.constant 0 : i32
      %dma_start3A_30 = tpu.memref_slice %arg4[%add3A, %dma_start3A_28, %dma_start3A_29] : memref<32x125x80xi32, #tpu.memory_space<hbm>> -> memref<1x125x80xi32, #tpu.memory_space<hbm>>
      %dma_start3A_31 = tpu.memref_squeeze %dma_start3A_30 : memref<1x125x80xi32, #tpu.memory_space<hbm>> -> memref<125x80xi32, #tpu.memory_space<hbm>>
      tpu.enqueue_dma source(%dma_start3A_31 : memref<125x80xi32, #tpu.memory_space<hbm>>) target(%arg8 : memref<125x80xi32, #tpu.memory_space<vmem>>) target_semaphore(%run_scoped3A : memref<!tpu.dma_semaphore, #tpu.memory_space<semaphore_mem>>)
      %dma_wait3A = arith.constant 0 : i32
      %dma_wait3A_32 = arith.constant 0 : i32
      %dma_wait3A_33 = tpu.memref_slice %arg4[%add3A, %dma_wait3A, %dma_wait3A_32] : memref<32x125x80xi32, #tpu.memory_space<hbm>> -> memref<1x125x80xi32, #tpu.memory_space<hbm>>
      %dma_wait3A_34 = tpu.memref_squeeze %dma_wait3A_33 : memref<1x125x80xi32, #tpu.memory_space<hbm>> -> memref<125x80xi32, #tpu.memory_space<hbm>>
      %dma_wait3A_35 = arith.constant 0 : i32
      %dma_wait3A_36 = arith.constant 0 : i32
      %dma_wait3A_37 = tpu.memref_slice %arg4[%add3A, %dma_wait3A_35, %dma_wait3A_36] : memref<32x125x80xi32, #tpu.memory_space<hbm>> -> memref<1x125x80xi32, #tpu.memory_space<hbm>>
      %dma_wait3A_38 = tpu.memref_squeeze %dma_wait3A_37 : memref<1x125x80xi32, #tpu.memory_space<hbm>> -> memref<125x80xi32, #tpu.memory_space<hbm>>
      tpu.wait_dma2 semaphore(%run_scoped3A : memref<!tpu.dma_semaphore, #tpu.memory_space<semaphore_mem>>) src(%dma_wait3A_38 : memref<125x80xi32, #tpu.memory_space<hbm>>) dst(%arg8 : memref<125x80xi32, #tpu.memory_space<vmem>>)
      tpu.yield
    }) : () -> ()
    %barrier3A = arith.constant 0 : index
    tpu.barrier barrier_id(%barrier3A)
    %scan3A = arith.constant 0 : i32
    %scan3A_9 = arith.constant 0 : i32
    %scan3A_10 = arith.constant 125 : i32
    %scan3A_11 = arith.addi %scan3A_9, %scan3A_10 : i32
    %scan3A_12 = arith.constant 1 : i32
    scf.for %scan3A_25 = %scan3A_9 to %scan3A_11 step %scan3A_12  : i32 {
      %dma_start3A = arith.constant 0 : i32
      %dma_start3A_26 = tpu.memref_slice %arg7[%scan3A_25, %dma_start3A] : memref<125x80xi32, #tpu.memory_space<vmem>> -> memref<1x80xi32, #tpu.memory_space<vmem>>
      %dma_start3A_27 = tpu.memref_squeeze %dma_start3A_26 : memref<1x80xi32, #tpu.memory_space<vmem>> -> memref<80xi32, #tpu.memory_space<vmem>>
      %dma_start3A_28 = arith.constant 0 : i32
      %dma_start3A_29 = arith.constant 0 : i32
      %dma_start3A_30 = tpu.memref_slice %arg2[%dma_start3A_28, %dma_start3A_29] : memref<10000x128xf32, #tpu.memory_space<hbm>> -> memref<10000x128xf32, #tpu.memory_space<hbm>>
      tpu.enqueue_indirect_dma source(%dma_start3A_30 : memref<10000x128xf32, #tpu.memory_space<hbm>>) target(%arg9 : memref<80x128xf32, #tpu.memory_space<vmem>>) offsets(%dma_start3A_27 : memref<80xi32, #tpu.memory_space<vmem>>) semaphore(%arg11 : memref<!tpu.dma_semaphore, #tpu.memory_space<semaphore_mem>>)
      %dma_wait3A = arith.constant 0 : i32
      %dma_wait3A_31 = tpu.memref_slice %arg7[%scan3A_25, %dma_wait3A] : memref<125x80xi32, #tpu.memory_space<vmem>> -> memref<1x80xi32, #tpu.memory_space<vmem>>
      %dma_wait3A_32 = tpu.memref_squeeze %dma_wait3A_31 : memref<1x80xi32, #tpu.memory_space<vmem>> -> memref<80xi32, #tpu.memory_space<vmem>>
      %dma_wait3A_33 = arith.constant 0 : i32
      %dma_wait3A_34 = arith.constant 0 : i32
      %dma_wait3A_35 = tpu.memref_slice %arg2[%dma_wait3A_33, %dma_wait3A_34] : memref<10000x128xf32, #tpu.memory_space<hbm>> -> memref<10000x128xf32, #tpu.memory_space<hbm>>
      tpu.wait_indirect_dma semaphore(%arg11 : memref<!tpu.dma_semaphore, #tpu.memory_space<semaphore_mem>>) src(%dma_wait3A_35 : memref<10000x128xf32, #tpu.memory_space<hbm>>) dst(%arg9 : memref<80x128xf32, #tpu.memory_space<vmem>>)
      "tpu.region"() ({
        %run_scoped3A = tpu.sem_alloc : memref<!tpu.dma_semaphore, #tpu.memory_space<semaphore_mem>>
        %dma_start3A_36 = arith.constant 0 : i32
        %dma_start3A_37 = tpu.memref_slice %arg8[%scan3A_25, %dma_start3A_36] : memref<125x80xi32, #tpu.memory_space<vmem>> -> memref<1x80xi32, #tpu.memory_space<vmem>>
        %dma_start3A_38 = tpu.memref_squeeze %dma_start3A_37 : memref<1x80xi32, #tpu.memory_space<vmem>> -> memref<80xi32, #tpu.memory_space<vmem>>
        %dma_start3A_39 = arith.constant 0 : i32
        %dma_start3A_40 = arith.constant 0 : i32
        %dma_start3A_41 = tpu.memref_slice %arg10[%dma_start3A_39, %dma_start3A_40] : memref<10000x128xf32, #tpu.memory_space<vmem_shared>> -> memref<10000x128xf32, #tpu.memory_space<vmem_shared>>
        tpu.enqueue_indirect_dma source(%arg9 : memref<80x128xf32, #tpu.memory_space<vmem>>) target(%dma_start3A_41 : memref<10000x128xf32, #tpu.memory_space<vmem_shared>>) offsets(%dma_start3A_38 : memref<80xi32, #tpu.memory_space<vmem>>) semaphore(%run_scoped3A : memref<!tpu.dma_semaphore, #tpu.memory_space<semaphore_mem>>) {add = true}
        %dma_wait3A_42 = arith.constant 0 : i32
        %dma_wait3A_43 = tpu.memref_slice %arg8[%scan3A_25, %dma_wait3A_42] : memref<125x80xi32, #tpu.memory_space<vmem>> -> memref<1x80xi32, #tpu.memory_space<vmem>>
        %dma_wait3A_44 = tpu.memref_squeeze %dma_wait3A_43 : memref<1x80xi32, #tpu.memory_space<vmem>> -> memref<80xi32, #tpu.memory_space<vmem>>
        %dma_wait3A_45 = arith.constant 0 : i32
        %dma_wait3A_46 = arith.constant 0 : i32
        %dma_wait3A_47 = tpu.memref_slice %arg10[%dma_wait3A_45, %dma_wait3A_46] : memref<10000x128xf32, #tpu.memory_space<vmem_shared>> -> memref<10000x128xf32, #tpu.memory_space<vmem_shared>>
        tpu.wait_indirect_dma semaphore(%run_scoped3A : memref<!tpu.dma_semaphore, #tpu.memory_space<semaphore_mem>>) src(%arg9 : memref<80x128xf32, #tpu.memory_space<vmem>>) dst(%dma_wait3A_47 : memref<10000x128xf32, #tpu.memory_space<vmem_shared>>)
        tpu.yield
      }) : () -> ()
    }
    %scan3A_13 = arith.constant 125 : i32
    %barrier3A_14 = arith.constant 0 : index
    tpu.barrier barrier_id(%barrier3A_14)
    %lt3A_15 = arith.constant 15 : i32
    %lt3A_16 = arith.cmpi slt, %arg1, %lt3A_15 : i32
    %convert_element_type3A_17 = arith.extui %lt3A_16 : i1 to i32
    %cond3A_18 = arith.constant 0 : i32
    %cond3A_19 = arith.cmpi ne, %convert_element_type3A_17, %cond3A_18 : i32
    scf.if %cond3A_19 {
      "tpu.region"() ({
        %run_scoped3A = tpu.sem_alloc : memref<!tpu.dma_semaphore, #tpu.memory_space<semaphore_mem>>
        %dma_start3A = arith.constant 0 : i32
        %dma_start3A_25 = tpu.memref_slice %arg6[%arg0, %mul3A_2, %dma_start3A] : memref<2x10000x128xf32, #tpu.memory_space<hbm>> -> memref<1x624x128xf32, #tpu.memory_space<hbm>>
        %dma_start3A_26 = tpu.memref_squeeze %dma_start3A_25 : memref<1x624x128xf32, #tpu.memory_space<hbm>> -> memref<624x128xf32, #tpu.memory_space<hbm>>
        %dma_start3A_27 = arith.constant 0 : i32
        %dma_start3A_28 = tpu.memref_slice %arg10[%mul3A_2, %dma_start3A_27] : memref<10000x128xf32, #tpu.memory_space<vmem_shared>> -> memref<624x128xf32, #tpu.memory_space<vmem_shared>>
        tpu.enqueue_dma source(%dma_start3A_28 : memref<624x128xf32, #tpu.memory_space<vmem_shared>>) target(%dma_start3A_26 : memref<624x128xf32, #tpu.memory_space<hbm>>) target_semaphore(%run_scoped3A : memref<!tpu.dma_semaphore, #tpu.memory_space<semaphore_mem>>)
        %dma_wait3A = arith.constant 0 : i32
        %dma_wait3A_29 = tpu.memref_slice %arg6[%arg0, %mul3A_2, %dma_wait3A] : memref<2x10000x128xf32, #tpu.memory_space<hbm>> -> memref<1x624x128xf32, #tpu.memory_space<hbm>>
        %dma_wait3A_30 = tpu.memref_squeeze %dma_wait3A_29 : memref<1x624x128xf32, #tpu.memory_space<hbm>> -> memref<624x128xf32, #tpu.memory_space<hbm>>
        %dma_wait3A_31 = arith.constant 0 : i32
        %dma_wait3A_32 = tpu.memref_slice %arg10[%mul3A_2, %dma_wait3A_31] : memref<10000x128xf32, #tpu.memory_space<vmem_shared>> -> memref<624x128xf32, #tpu.memory_space<vmem_shared>>
        tpu.wait_dma2 semaphore(%run_scoped3A : memref<!tpu.dma_semaphore, #tpu.memory_space<semaphore_mem>>) src(%dma_wait3A_32 : memref<624x128xf32, #tpu.memory_space<vmem_shared>>) dst(%dma_wait3A_30 : memref<624x128xf32, #tpu.memory_space<hbm>>)
        tpu.yield
      }) : () -> ()
    } else {
    }
    %eq3A_20 = arith.constant 15 : i32
    %eq3A_21 = arith.cmpi eq, %arg1, %eq3A_20 : i32
    %convert_element_type3A_22 = arith.extui %eq3A_21 : i1 to i32
    %cond3A_23 = arith.constant 0 : i32
    %cond3A_24 = arith.cmpi ne, %convert_element_type3A_22, %cond3A_23 : i32
    scf.if %cond3A_24 {
      "tpu.region"() ({
        %run_scoped3A = tpu.sem_alloc : memref<!tpu.dma_semaphore, #tpu.memory_space<semaphore_mem>>
        %dma_start3A = arith.constant 0 : i32
        %dma_start3A_25 = tpu.memref_slice %arg6[%arg0, %mul3A_2, %dma_start3A] : memref<2x10000x128xf32, #tpu.memory_space<hbm>> -> memref<1x640x128xf32, #tpu.memory_space<hbm>>
        %dma_start3A_26 = tpu.memref_squeeze %dma_start3A_25 : memref<1x640x128xf32, #tpu.memory_space<hbm>> -> memref<640x128xf32, #tpu.memory_space<hbm>>
        %dma_start3A_27 = arith.constant 0 : i32
        %dma_start3A_28 = tpu.memref_slice %arg10[%mul3A_2, %dma_start3A_27] : memref<10000x128xf32, #tpu.memory_space<vmem_shared>> -> memref<640x128xf32, #tpu.memory_space<vmem_shared>>
        tpu.enqueue_dma source(%dma_start3A_28 : memref<640x128xf32, #tpu.memory_space<vmem_shared>>) target(%dma_start3A_26 : memref<640x128xf32, #tpu.memory_space<hbm>>) target_semaphore(%run_scoped3A : memref<!tpu.dma_semaphore, #tpu.memory_space<semaphore_mem>>)
        %dma_wait3A = arith.constant 0 : i32
        %dma_wait3A_29 = tpu.memref_slice %arg6[%arg0, %mul3A_2, %dma_wait3A] : memref<2x10000x128xf32, #tpu.memory_space<hbm>> -> memref<1x640x128xf32, #tpu.memory_space<hbm>>
        %dma_wait3A_30 = tpu.memref_squeeze %dma_wait3A_29 : memref<1x640x128xf32, #tpu.memory_space<hbm>> -> memref<640x128xf32, #tpu.memory_space<hbm>>
        %dma_wait3A_31 = arith.constant 0 : i32
        %dma_wait3A_32 = tpu.memref_slice %arg10[%mul3A_2, %dma_wait3A_31] : memref<10000x128xf32, #tpu.memory_space<vmem_shared>> -> memref<640x128xf32, #tpu.memory_space<vmem_shared>>
        tpu.wait_dma2 semaphore(%run_scoped3A : memref<!tpu.dma_semaphore, #tpu.memory_space<semaphore_mem>>) src(%dma_wait3A_32 : memref<640x128xf32, #tpu.memory_space<vmem_shared>>) dst(%dma_wait3A_30 : memref<640x128xf32, #tpu.memory_space<hbm>>)
        tpu.yield
      }) : () -> ()
    } else {
    }
    return
  }
}

module attributes {stable_mosaic.version = 14 : i64} {
  func.func @_deg_body(%arg0: i32, %arg1: memref<1x1x16000xi32, #tpu.memory_space<vmem>>, %arg2: memref<1x16000x1xi32, #tpu.memory_space<vmem>>, %arg3: memref<80x128xf32, #tpu.memory_space<vmem>>, %arg4: memref<80x128xf32, #tpu.memory_space<vmem>>) attributes {dimension_semantics = [#tpu.dimension_semantics<arbitrary>], iteration_bounds = array<i64: 20>, scalar_prefetch = 0 : i64, scratch_operands = 1 : i64, tpu.core_type = #tpu.core_type<tc>, window_params = [{transform_indices = @transform_0, window_bounds = array<i64: 1, 1, 16000>}, {transform_indices = @transform_1, window_bounds = array<i64: 1, 16000, 1>}, {pipeline_mode = #tpu.pipeline_mode<synchronous>, transform_indices = @transform_2, window_bounds = array<i64: 80, 128>}]} {
    %eq3A = arith.constant 0 : i32
    %eq3A_0 = arith.cmpi eq, %arg0, %eq3A : i32
    %convert_element_type3A = arith.extui %eq3A_0 : i1 to i32
    %cond3A = arith.constant 0 : i32
    %cond3A_1 = arith.cmpi ne, %convert_element_type3A, %cond3A : i32
    scf.if %cond3A_1 {
      %broadcast_in_dim3A_78 = arith.constant 0.000000e+00 : f32
      %broadcast_in_dim3A_79 = vector.broadcast %broadcast_in_dim3A_78 : f32 to vector<80x128xf32>
      %swap3A_80 = arith.constant 0 : index
      %swap3A_81 = arith.constant 0 : index
      %swap3A_82 = vector.load %arg4[%swap3A_80, %swap3A_81] : memref<80x128xf32, #tpu.memory_space<vmem>>, vector<80x128xf32>
      tpu.vector_store %arg4[%swap3A_80, %swap3A_81], %broadcast_in_dim3A_79 {strides = array<i32>} : memref<80x128xf32, #tpu.memory_space<vmem>>, vector<80x128xf32>,
    } else {
    }
    %get3A = arith.constant 0 : index
    %get3A_2 = arith.constant 0 : index
    %get3A_3 = arith.constant 0 : index
    %get3A_4 = vector.load %arg1[%get3A, %get3A_2, %get3A_3] : memref<1x1x16000xi32, #tpu.memory_space<vmem>>, vector<1x1x16000xi32>
    %get3A_5 = vector.shape_cast %get3A_4 : vector<1x1x16000xi32> to vector<1x16000xi32>
    %jit3A = arith.constant 128 : i32
    %div3A = vector.broadcast %jit3A : i32 to vector<1x16000xi32>
    %div3A_6 = arith.divsi %get3A_5, %div3A : vector<1x16000xi32>
    %sign3A = arith.constant 0 : i32
    %sign3A_7 = vector.broadcast %sign3A : i32 to vector<1x16000xi32>
    %sign3A_8 = arith.cmpi sgt, %get3A_5, %sign3A_7 : vector<1x16000xi32>
    %sign3A_9 = arith.extui %sign3A_8 : vector<1x16000xi1> to vector<1x16000xi32>
    %sign3A_10 = arith.constant 0 : i32
    %sign3A_11 = vector.broadcast %sign3A_10 : i32 to vector<1x16000xi32>
    %sign3A_12 = arith.cmpi slt, %get3A_5, %sign3A_11 : vector<1x16000xi32>
    %sign3A_13 = arith.extui %sign3A_12 : vector<1x16000xi1> to vector<1x16000xi32>
    %sign3A_14 = arith.subi %sign3A_9, %sign3A_13 : vector<1x16000xi32>
    %sign3A_15 = arith.constant 0 : i32
    %sign3A_16 = arith.cmpi sgt, %jit3A, %sign3A_15 : i32
    %sign3A_17 = arith.extui %sign3A_16 : i1 to i32
    %sign3A_18 = arith.constant 0 : i32
    %sign3A_19 = arith.cmpi slt, %jit3A, %sign3A_18 : i32
    %sign3A_20 = arith.extui %sign3A_19 : i1 to i32
    %sign3A_21 = arith.subi %sign3A_17, %sign3A_20 : i32
    %ne3A = vector.broadcast %sign3A_21 : i32 to vector<1x16000xi32>
    %ne3A_22 = arith.cmpi ne, %sign3A_14, %ne3A : vector<1x16000xi32>
    %rem3A = vector.broadcast %jit3A : i32 to vector<1x16000xi32>
    %rem3A_23 = arith.remsi %get3A_5, %rem3A : vector<1x16000xi32>
    %ne3A_24 = arith.constant 0 : i32
    %ne3A_25 = vector.broadcast %ne3A_24 : i32 to vector<1x16000xi32>
    %ne3A_26 = arith.cmpi ne, %rem3A_23, %ne3A_25 : vector<1x16000xi32>
    %and3A = arith.andi %ne3A_22, %ne3A_26 : vector<1x16000xi1>
    %sub3A = arith.constant 1 : i32
    %sub3A_27 = vector.broadcast %sub3A : i32 to vector<1x16000xi32>
    %sub3A_28 = arith.subi %div3A_6, %sub3A_27 : vector<1x16000xi32>
    %select_n3A = arith.select %and3A, %sub3A_28, %div3A_6 : vector<1x16000xi1>, vector<1x16000xi32>
    %get3A_29 = arith.constant 0 : index
    %get3A_30 = arith.constant 0 : index
    %get3A_31 = arith.constant 0 : index
    %get3A_32 = vector.load %arg2[%get3A_29, %get3A_30, %get3A_31] : memref<1x16000x1xi32, #tpu.memory_space<vmem>>, vector<1x16000x1xi32>
    %get3A_33 = vector.shape_cast %get3A_32 : vector<1x16000x1xi32> to vector<16000x1xi32>
    %jit3A_34 = arith.constant 128 : i32
    %eq3A_35 = arith.constant 0 : i32
    %eq3A_36 = arith.cmpi eq, %jit3A_34, %eq3A_35 : i32
    %jit3A_37 = arith.constant 1 : i32
    %select_n3A_38 = arith.select %eq3A_36, %jit3A_37, %jit3A_34 : i32
    %rem3A_39 = vector.broadcast %select_n3A_38 : i32 to vector<16000x1xi32>
    %rem3A_40 = arith.remsi %get3A_33, %rem3A_39 : vector<16000x1xi32>
    %ne3A_41 = arith.constant 0 : i32
    %ne3A_42 = vector.broadcast %ne3A_41 : i32 to vector<16000x1xi32>
    %ne3A_43 = arith.cmpi ne, %rem3A_40, %ne3A_42 : vector<16000x1xi32>
    %lt3A = arith.constant 0 : i32
    %lt3A_44 = vector.broadcast %lt3A : i32 to vector<16000x1xi32>
    %lt3A_45 = arith.cmpi slt, %rem3A_40, %lt3A_44 : vector<16000x1xi32>
    %lt3A_46 = arith.constant 0 : i32
    %lt3A_47 = arith.cmpi slt, %select_n3A_38, %lt3A_46 : i32
    %ne3A_48 = vector.broadcast %lt3A_47 : i1 to vector<16000x1xi1>
    %ne3A_49 = vector.broadcast %ne3A_48 : vector<16000x1xi1> to vector<16000x1xi1>
    %ne3A_50 = arith.xori %lt3A_45, %ne3A_49 : vector<16000x1xi1>
    %and3A_51 = arith.andi %ne3A_50, %ne3A_43 : vector<16000x1xi1>
    %add3A = vector.broadcast %select_n3A_38 : i32 to vector<16000x1xi32>
    %add3A_52 = arith.addi %rem3A_40, %add3A : vector<16000x1xi32>
    %select_n3A_53 = arith.select %and3A_51, %add3A_52, %rem3A_40 : vector<16000x1xi1>, vector<16000x1xi32>
    %iota3A = tpu.iota {dimensions = array<i32: 0>} : vector<80x16000xi32>
    %broadcast_in_dim3A = vector.shape_cast %select_n3A : vector<1x16000xi32> to vector<1x16000xi32>
    %broadcast_in_dim3A_54 = vector.broadcast %broadcast_in_dim3A : vector<1x16000xi32> to vector<80x16000xi32>
    %eq3A_55 = arith.cmpi eq, %iota3A, %broadcast_in_dim3A_54 : vector<80x16000xi32>
    %convert_element_type3A_56 = arith.extui %eq3A_55 : vector<80x16000xi1> to vector<80x16000xi32>
    %convert_element_type3A_57 = arith.sitofp %convert_element_type3A_56 : vector<80x16000xi32> to vector<80x16000xf32>
    %convert_element_type3A_58 = arith.truncf %convert_element_type3A_57 : vector<80x16000xf32> to vector<80x16000xbf16>
    %iota3A_59 = tpu.iota {dimensions = array<i32: 1>} : vector<16000x128xi32>
    %broadcast_in_dim3A_60 = vector.shape_cast %select_n3A_53 : vector<16000x1xi32> to vector<16000x1xi32>
    %broadcast_in_dim3A_61 = vector.broadcast %broadcast_in_dim3A_60 : vector<16000x1xi32> to vector<16000x128xi32>
    %eq3A_62 = arith.cmpi eq, %iota3A_59, %broadcast_in_dim3A_61 : vector<16000x128xi32>
    %convert_element_type3A_63 = arith.extui %eq3A_62 : vector<16000x128xi1> to vector<16000x128xi32>
    %convert_element_type3A_64 = arith.sitofp %convert_element_type3A_63 : vector<16000x128xi32> to vector<16000x128xf32>
    %convert_element_type3A_65 = arith.truncf %convert_element_type3A_64 : vector<16000x128xf32> to vector<16000x128xbf16>
    %get3A_66 = arith.constant 0 : index
    %get3A_67 = arith.constant 0 : index
    %get3A_68 = vector.load %arg4[%get3A_66, %get3A_67] : memref<80x128xf32, #tpu.memory_space<vmem>>, vector<80x128xf32>
    %dot_general3A = arith.constant dense<0.000000e+00> : vector<80x128xf32>
    %dot_general3A_69 = tpu.matmul %convert_element_type3A_58, %convert_element_type3A_65, %dot_general3A {dimension_numbers = #tpu.dot_dimension_numbers<[1], [0], [0], [1], [0, 0, 1, 1], [], []>, transpose_lhs_hint = false} : vector<80x16000xbf16>, vector<16000x128xbf16>, vector<80x128xf32> -> vector<80x128xf32>
    %add3A_70 = arith.addf %get3A_68, %dot_general3A_69 : vector<80x128xf32>
    %swap3A = arith.constant 0 : index
    %swap3A_71 = arith.constant 0 : index
    %swap3A_72 = vector.load %arg4[%swap3A, %swap3A_71] : memref<80x128xf32, #tpu.memory_space<vmem>>, vector<80x128xf32>
    tpu.vector_store %arg4[%swap3A, %swap3A_71], %add3A_70 {strides = array<i32>} : memref<80x128xf32, #tpu.memory_space<vmem>>, vector<80x128xf32>,
    %eq3A_73 = arith.constant 19 : i32
    %eq3A_74 = arith.cmpi eq, %arg0, %eq3A_73 : i32
    %convert_element_type3A_75 = arith.extui %eq3A_74 : i1 to i32
    %cond3A_76 = arith.constant 0 : i32
    %cond3A_77 = arith.cmpi ne, %convert_element_type3A_75, %cond3A_76 : i32
    scf.if %cond3A_77 {
      %get3A_78 = arith.constant 0 : index
      %get3A_79 = arith.constant 0 : index
      %get3A_80 = vector.load %arg4[%get3A_78, %get3A_79] : memref<80x128xf32, #tpu.memory_space<vmem>>, vector<80x128xf32>
      %swap3A_81 = arith.constant 0 : index
      %swap3A_82 = arith.constant 0 : index
      %swap3A_83 = vector.load %arg3[%swap3A_81, %swap3A_82] : memref<80x128xf32, #tpu.memory_space<vmem>>, vector<80x128xf32>
      tpu.vector_store %arg3[%swap3A_81, %swap3A_82], %get3A_80 {strides = array<i32>} : memref<80x128xf32, #tpu.memory_space<vmem>>, vector<80x128xf32>,
    } else {
    }
    return
  }
  func.func @transform_0(%arg0: i32) -> (i32, i32, i32) {
    %c0_i32 = arith.constant 0 : i32
    %c0_i32_0 = arith.constant 0 : i32
    %c0_i32_1 = arith.constant 0 : i32
    return %arg0, %c0_i32, %c0_i32_0 : i32, i32, i32
  }
  func.func @transform_1(%arg0: i32) -> (i32, i32, i32) {
    %c0_i32 = arith.constant 0 : i32
    %c0_i32_0 = arith.constant 0 : i32
    %c0_i32_1 = arith.constant 0 : i32
    return %arg0, %c0_i32, %c0_i32_0 : i32, i32, i32
  }
  func.func @transform_2(%arg0: i32) -> (i32, i32) {
    %c0_i32 = arith.constant 0 : i32
    %c0_i32_0 = arith.constant 0 : i32
    %c0_i32_1 = arith.constant 0 : i32
    return %c0_i32, %c0_i32_0 : i32, i32
  }
}

module attributes {stable_mosaic.version = 14 : i64} {
  func.func @_layer_body(%arg0: i32, %arg1: memref<2x1000x128xf32, #tpu.memory_space<vmem>>, %arg2: memref<1000x1xf32, #tpu.memory_space<vmem>>, %arg3: memref<1000x128xf32, #tpu.memory_space<vmem>>, %arg4: memref<128x128xf32, #tpu.memory_space<vmem>>, %arg5: memref<1x128xf32, #tpu.memory_space<vmem>>, %arg6: memref<128x128xf32, #tpu.memory_space<vmem>>, %arg7: memref<1000x128xf32, #tpu.memory_space<vmem>>, %arg8: memref<2x128xf32, #tpu.memory_space<vmem>>, %arg9: memref<2x128xf32, #tpu.memory_space<vmem>>) attributes {dimension_semantics = [#tpu.dimension_semantics<arbitrary>], iteration_bounds = array<i64: 10>, scalar_prefetch = 0 : i64, scratch_operands = 1 : i64, tpu.core_type = #tpu.core_type<tc>, window_params = [{transform_indices = @transform_0, window_bounds = array<i64: 2, 1000, 128>}, {transform_indices = @transform_1, window_bounds = array<i64: 1000, 1>}, {transform_indices = @transform_2, window_bounds = array<i64: 1000, 128>}, {pipeline_mode = #tpu.pipeline_mode<synchronous>, transform_indices = @transform_3, window_bounds = array<i64: 128, 128>}, {pipeline_mode = #tpu.pipeline_mode<synchronous>, transform_indices = @transform_4, window_bounds = array<i64: 1, 128>}, {pipeline_mode = #tpu.pipeline_mode<synchronous>, transform_indices = @transform_5, window_bounds = array<i64: 128, 128>}, {transform_indices = @transform_6, window_bounds = array<i64: 1000, 128>}, {pipeline_mode = #tpu.pipeline_mode<synchronous>, transform_indices = @transform_7, window_bounds = array<i64: 2, 128>}]} {
    %get3A = arith.constant 0 : index
    %get3A_0 = arith.constant 0 : index
    %get3A_1 = vector.load %arg2[%get3A, %get3A_0] : memref<1000x1xf32, #tpu.memory_space<vmem>>, vector<1000x1xf32>
    %max3A = arith.constant 1.000000e+00 : f32
    %max3A_2 = vector.broadcast %max3A : f32 to vector<1000x1xf32>
    %max3A_3 = arith.maximumf %get3A_1, %max3A_2 : vector<1000x1xf32>
    %div3A = arith.constant 1.000000e+00 : f32
    %div3A_4 = vector.broadcast %div3A : f32 to vector<1000x1xf32>
    %div3A_5 = arith.divf %div3A_4, %max3A_3 : vector<1000x1xf32>
    %get3A_6 = arith.constant 0 : index
    %get3A_7 = arith.constant 0 : index
    %get3A_8 = arith.constant 0 : index
    %get3A_9 = vector.load %arg1[%get3A_6, %get3A_7, %get3A_8] : memref<2x1000x128xf32, #tpu.memory_space<vmem>>, vector<1x1000x128xf32>
    %get3A_10 = vector.shape_cast %get3A_9 : vector<1x1000x128xf32> to vector<1000x128xf32>
    %get3A_11 = arith.constant 1 : index
    %get3A_12 = arith.constant 0 : index
    %get3A_13 = arith.constant 0 : index
    %get3A_14 = vector.load %arg1[%get3A_11, %get3A_12, %get3A_13] : memref<2x1000x128xf32, #tpu.memory_space<vmem>>, vector<1x1000x128xf32>
    %get3A_15 = vector.shape_cast %get3A_14 : vector<1x1000x128xf32> to vector<1000x128xf32>
    %add3A = arith.addf %get3A_10, %get3A_15 : vector<1000x128xf32>
    %mul3A = vector.broadcast %div3A_5 : vector<1000x1xf32> to vector<1000x128xf32>
    %mul3A_16 = arith.mulf %add3A, %mul3A : vector<1000x128xf32>
    %get3A_17 = arith.constant 0 : index
    %get3A_18 = arith.constant 0 : index
    %get3A_19 = vector.load %arg4[%get3A_17, %get3A_18] : memref<128x128xf32, #tpu.memory_space<vmem>>, vector<128x128xf32>
    %dot_general3A = arith.constant dense<0.000000e+00> : vector<1000x128xf32>
    %dot_general3A_20 = tpu.matmul %mul3A_16, %get3A_19, %dot_general3A {dimension_numbers = #tpu.dot_dimension_numbers<[1], [0], [0], [1], [0, 0, 1, 1], [], []>, transpose_lhs_hint = false} : vector<1000x128xf32>, vector<128x128xf32>, vector<1000x128xf32> -> vector<1000x128xf32>
    %get3A_21 = arith.constant 0 : index
    %get3A_22 = arith.constant 0 : index
    %get3A_23 = vector.load %arg3[%get3A_21, %get3A_22] : memref<1000x128xf32, #tpu.memory_space<vmem>>, vector<1000x128xf32>
    %get3A_24 = arith.constant 0 : index
    %get3A_25 = arith.constant 0 : index
    %get3A_26 = vector.load %arg6[%get3A_24, %get3A_25] : memref<128x128xf32, #tpu.memory_space<vmem>>, vector<128x128xf32>
    %dot_general3A_27 = arith.constant dense<0.000000e+00> : vector<1000x128xf32>
    %dot_general3A_28 = tpu.matmul %get3A_23, %get3A_26, %dot_general3A_27 {dimension_numbers = #tpu.dot_dimension_numbers<[1], [0], [0], [1], [0, 0, 1, 1], [], []>, transpose_lhs_hint = false} : vector<1000x128xf32>, vector<128x128xf32>, vector<1000x128xf32> -> vector<1000x128xf32>
    %add3A_29 = arith.addf %dot_general3A_20, %dot_general3A_28 : vector<1000x128xf32>
    %get3A_30 = arith.constant 0 : index
    %get3A_31 = arith.constant 0 : index
    %get3A_32 = vector.load %arg5[%get3A_30, %get3A_31] : memref<1x128xf32, #tpu.memory_space<vmem>>, vector<1x128xf32>
    %add3A_33 = vector.broadcast %get3A_32 : vector<1x128xf32> to vector<1000x128xf32>
    %add3A_34 = arith.addf %add3A_29, %add3A_33 : vector<1000x128xf32>
    %max3A_35 = arith.constant 0.000000e+00 : f32
    %max3A_36 = vector.broadcast %max3A_35 : f32 to vector<1000x128xf32>
    %max3A_37 = arith.maximumf %add3A_34, %max3A_36 : vector<1000x128xf32>
    %swap3A = arith.constant 0 : index
    %swap3A_38 = arith.constant 0 : index
    %swap3A_39 = vector.load %arg7[%swap3A, %swap3A_38] : memref<1000x128xf32, #tpu.memory_space<vmem>>, vector<1000x128xf32>
    tpu.vector_store %arg7[%swap3A, %swap3A_38], %max3A_37 {strides = array<i32>} : memref<1000x128xf32, #tpu.memory_space<vmem>>, vector<1000x128xf32>,
    %eq3A = arith.constant 0 : i32
    %eq3A_40 = arith.cmpi eq, %arg0, %eq3A : i32
    %convert_element_type3A = arith.extui %eq3A_40 : i1 to i32
    %cond3A = arith.constant 0 : i32
    %cond3A_41 = arith.cmpi ne, %convert_element_type3A, %cond3A : i32
    scf.if %cond3A_41 {
      %broadcast_in_dim3A_66 = arith.constant 0.000000e+00 : f32
      %broadcast_in_dim3A_67 = vector.broadcast %broadcast_in_dim3A_66 : f32 to vector<2x128xf32>
      %swap3A_68 = arith.constant 0 : index
      %swap3A_69 = arith.constant 0 : index
      %swap3A_70 = vector.load %arg9[%swap3A_68, %swap3A_69] : memref<2x128xf32, #tpu.memory_space<vmem>>, vector<2x128xf32>
      tpu.vector_store %arg9[%swap3A_68, %swap3A_69], %broadcast_in_dim3A_67 {strides = array<i32>} : memref<2x128xf32, #tpu.memory_space<vmem>>, vector<2x128xf32>,
    } else {
    }
    %get3A_42 = arith.constant 0 : index
    %get3A_43 = arith.constant 0 : index
    %get3A_44 = vector.load %arg9[%get3A_42, %get3A_43] : memref<2x128xf32, #tpu.memory_space<vmem>>, vector<1x128xf32>
    %reduce_sum3A = arith.constant dense<0.000000e+00> : vector<128xf32>
    %reduce_sum3A_45 = vector.multi_reduction <add>, %max3A_37, %reduce_sum3A [0] : vector<1000x128xf32> to vector<128xf32>
    %broadcast_in_dim3A = vector.shape_cast %reduce_sum3A_45 : vector<128xf32> to vector<1x128xf32>
    %add3A_46 = arith.addf %get3A_44, %broadcast_in_dim3A : vector<1x128xf32>
    %swap3A_47 = arith.constant 0 : index
    %swap3A_48 = arith.constant 0 : index
    %swap3A_49 = vector.load %arg9[%swap3A_47, %swap3A_48] : memref<2x128xf32, #tpu.memory_space<vmem>>, vector<1x128xf32>
    tpu.vector_store %arg9[%swap3A_47, %swap3A_48], %add3A_46 {strides = array<i32>} : memref<2x128xf32, #tpu.memory_space<vmem>>, vector<1x128xf32>,
    %get3A_50 = arith.constant 1 : index
    %get3A_51 = arith.constant 0 : index
    %get3A_52 = vector.load %arg9[%get3A_50, %get3A_51] : memref<2x128xf32, #tpu.memory_space<vmem>>, vector<1x128xf32>
    %mul3A_53 = arith.mulf %max3A_37, %max3A_37 : vector<1000x128xf32>
    %reduce_sum3A_54 = arith.constant dense<0.000000e+00> : vector<128xf32>
    %reduce_sum3A_55 = vector.multi_reduction <add>, %mul3A_53, %reduce_sum3A_54 [0] : vector<1000x128xf32> to vector<128xf32>
    %broadcast_in_dim3A_56 = vector.shape_cast %reduce_sum3A_55 : vector<128xf32> to vector<1x128xf32>
    %add3A_57 = arith.addf %get3A_52, %broadcast_in_dim3A_56 : vector<1x128xf32>
    %swap3A_58 = arith.constant 1 : index
    %swap3A_59 = arith.constant 0 : index
    %swap3A_60 = vector.load %arg9[%swap3A_58, %swap3A_59] : memref<2x128xf32, #tpu.memory_space<vmem>>, vector<1x128xf32>
    tpu.vector_store %arg9[%swap3A_58, %swap3A_59], %add3A_57 {strides = array<i32>} : memref<2x128xf32, #tpu.memory_space<vmem>>, vector<1x128xf32>,
    %eq3A_61 = arith.constant 9 : i32
    %eq3A_62 = arith.cmpi eq, %arg0, %eq3A_61 : i32
    %convert_element_type3A_63 = arith.extui %eq3A_62 : i1 to i32
    %cond3A_64 = arith.constant 0 : i32
    %cond3A_65 = arith.cmpi ne, %convert_element_type3A_63, %cond3A_64 : i32
    scf.if %cond3A_65 {
      %get3A_66 = arith.constant 0 : index
      %get3A_67 = arith.constant 0 : index
      %get3A_68 = vector.load %arg9[%get3A_66, %get3A_67] : memref<2x128xf32, #tpu.memory_space<vmem>>, vector<2x128xf32>
      %swap3A_69 = arith.constant 0 : index
      %swap3A_70 = arith.constant 0 : index
      %swap3A_71 = vector.load %arg8[%swap3A_69, %swap3A_70] : memref<2x128xf32, #tpu.memory_space<vmem>>, vector<2x128xf32>
      tpu.vector_store %arg8[%swap3A_69, %swap3A_70], %get3A_68 {strides = array<i32>} : memref<2x128xf32, #tpu.memory_space<vmem>>, vector<2x128xf32>,
    } else {
    }
    return
  }
  func.func @transform_0(%arg0: i32) -> (i32, i32, i32) {
    %c0_i32 = arith.constant 0 : i32
    %c0_i32_0 = arith.constant 0 : i32
    %c0_i32_1 = arith.constant 0 : i32
    return %c0_i32, %arg0, %c0_i32_0 : i32, i32, i32
  }
  func.func @transform_1(%arg0: i32) -> (i32, i32) {
    %c0_i32 = arith.constant 0 : i32
    %c0_i32_0 = arith.constant 0 : i32
    return %arg0, %c0_i32 : i32, i32
  }
  func.func @transform_2(%arg0: i32) -> (i32, i32) {
    %c0_i32 = arith.constant 0 : i32
    %c0_i32_0 = arith.constant 0 : i32
    return %arg0, %c0_i32 : i32, i32
  }
  func.func @transform_3(%arg0: i32) -> (i32, i32) {
    %c0_i32 = arith.constant 0 : i32
    %c0_i32_0 = arith.constant 0 : i32
    %c0_i32_1 = arith.constant 0 : i32
    return %c0_i32, %c0_i32_0 : i32, i32
  }
  func.func @transform_4(%arg0: i32) -> (i32, i32) {
    %c0_i32 = arith.constant 0 : i32
    %c0_i32_0 = arith.constant 0 : i32
    %c0_i32_1 = arith.constant 0 : i32
    return %c0_i32, %c0_i32_0 : i32, i32
  }
  func.func @transform_5(%arg0: i32) -> (i32, i32) {
    %c0_i32 = arith.constant 0 : i32
    %c0_i32_0 = arith.constant 0 : i32
    %c0_i32_1 = arith.constant 0 : i32
    return %c0_i32, %c0_i32_0 : i32, i32
  }
  func.func @transform_6(%arg0: i32) -> (i32, i32) {
    %c0_i32 = arith.constant 0 : i32
    %c0_i32_0 = arith.constant 0 : i32
    return %arg0, %c0_i32 : i32, i32
  }
  func.func @transform_7(%arg0: i32) -> (i32, i32) {
    %c0_i32 = arith.constant 0 : i32
    %c0_i32_0 = arith.constant 0 : i32
    %c0_i32_1 = arith.constant 0 : i32
    return %c0_i32, %c0_i32_0 : i32, i32
  }
}

module attributes {stable_mosaic.version = 14 : i64} {
  func.func @_norm_body(%arg0: i32, %arg1: memref<1000x128xf32, #tpu.memory_space<vmem>>, %arg2: memref<2x128xf32, #tpu.memory_space<vmem>>, %arg3: memref<1x128xf32, #tpu.memory_space<vmem>>, %arg4: memref<1x128xf32, #tpu.memory_space<vmem>>, %arg5: memref<1000x128xf32, #tpu.memory_space<vmem>>) attributes {dimension_semantics = [#tpu.dimension_semantics<arbitrary>], iteration_bounds = array<i64: 10>, scalar_prefetch = 0 : i64, scratch_operands = 0 : i64, tpu.core_type = #tpu.core_type<tc>, window_params = [{transform_indices = @transform_0, window_bounds = array<i64: 1000, 128>}, {pipeline_mode = #tpu.pipeline_mode<synchronous>, transform_indices = @transform_1, window_bounds = array<i64: 2, 128>}, {pipeline_mode = #tpu.pipeline_mode<synchronous>, transform_indices = @transform_2, window_bounds = array<i64: 1, 128>}, {pipeline_mode = #tpu.pipeline_mode<synchronous>, transform_indices = @transform_3, window_bounds = array<i64: 1, 128>}, {transform_indices = @transform_4, window_bounds = array<i64: 1000, 128>}]} {
    %get3A = arith.constant 0 : index
    %get3A_0 = arith.constant 0 : index
    %get3A_1 = vector.load %arg2[%get3A, %get3A_0] : memref<2x128xf32, #tpu.memory_space<vmem>>, vector<1x128xf32>
    %mul3A = arith.constant 9.99999974E-5 : f32
    %mul3A_2 = vector.broadcast %mul3A : f32 to vector<1x128xf32>
    %mul3A_3 = arith.mulf %get3A_1, %mul3A_2 : vector<1x128xf32>
    %get3A_4 = arith.constant 1 : index
    %get3A_5 = arith.constant 0 : index
    %get3A_6 = vector.load %arg2[%get3A_4, %get3A_5] : memref<2x128xf32, #tpu.memory_space<vmem>>, vector<1x128xf32>
    %mul3A_7 = arith.constant 9.99999974E-5 : f32
    %mul3A_8 = vector.broadcast %mul3A_7 : f32 to vector<1x128xf32>
    %mul3A_9 = arith.mulf %get3A_6, %mul3A_8 : vector<1x128xf32>
    %mul3A_10 = arith.mulf %mul3A_3, %mul3A_3 : vector<1x128xf32>
    %sub3A = arith.subf %mul3A_9, %mul3A_10 : vector<1x128xf32>
    %add3A = arith.constant 9.99999974E-6 : f32
    %add3A_11 = vector.broadcast %add3A : f32 to vector<1x128xf32>
    %add3A_12 = arith.addf %sub3A, %add3A_11 : vector<1x128xf32>
    %rsqrt3A = math.rsqrt %add3A_12 : vector<1x128xf32>
    %get3A_13 = arith.constant 0 : index
    %get3A_14 = arith.constant 0 : index
    %get3A_15 = vector.load %arg1[%get3A_13, %get3A_14] : memref<1000x128xf32, #tpu.memory_space<vmem>>, vector<1000x128xf32>
    %sub3A_16 = vector.broadcast %mul3A_3 : vector<1x128xf32> to vector<1000x128xf32>
    %sub3A_17 = arith.subf %get3A_15, %sub3A_16 : vector<1000x128xf32>
    %mul3A_18 = vector.broadcast %rsqrt3A : vector<1x128xf32> to vector<1000x128xf32>
    %mul3A_19 = arith.mulf %sub3A_17, %mul3A_18 : vector<1000x128xf32>
    %get3A_20 = arith.constant 0 : index
    %get3A_21 = arith.constant 0 : index
    %get3A_22 = vector.load %arg3[%get3A_20, %get3A_21] : memref<1x128xf32, #tpu.memory_space<vmem>>, vector<1x128xf32>
    %mul3A_23 = vector.broadcast %get3A_22 : vector<1x128xf32> to vector<1000x128xf32>
    %mul3A_24 = arith.mulf %mul3A_19, %mul3A_23 : vector<1000x128xf32>
    %get3A_25 = arith.constant 0 : index
    %get3A_26 = arith.constant 0 : index
    %get3A_27 = vector.load %arg4[%get3A_25, %get3A_26] : memref<1x128xf32, #tpu.memory_space<vmem>>, vector<1x128xf32>
    %add3A_28 = vector.broadcast %get3A_27 : vector<1x128xf32> to vector<1000x128xf32>
    %add3A_29 = arith.addf %mul3A_24, %add3A_28 : vector<1000x128xf32>
    %swap3A = arith.constant 0 : index
    %swap3A_30 = arith.constant 0 : index
    %swap3A_31 = vector.load %arg5[%swap3A, %swap3A_30] : memref<1000x128xf32, #tpu.memory_space<vmem>>, vector<1000x128xf32>
    tpu.vector_store %arg5[%swap3A, %swap3A_30], %add3A_29 {strides = array<i32>} : memref<1000x128xf32, #tpu.memory_space<vmem>>, vector<1000x128xf32>,
    return
  }
  func.func @transform_0(%arg0: i32) -> (i32, i32) {
    %c0_i32 = arith.constant 0 : i32
    %c0_i32_0 = arith.constant 0 : i32
    return %arg0, %c0_i32 : i32, i32
  }
  func.func @transform_1(%arg0: i32) -> (i32, i32) {
    %c0_i32 = arith.constant 0 : i32
    %c0_i32_0 = arith.constant 0 : i32
    %c0_i32_1 = arith.constant 0 : i32
    return %c0_i32, %c0_i32_0 : i32, i32
  }
  func.func @transform_2(%arg0: i32) -> (i32, i32) {
    %c0_i32 = arith.constant 0 : i32
    %c0_i32_0 = arith.constant 0 : i32
    %c0_i32_1 = arith.constant 0 : i32
    return %c0_i32, %c0_i32_0 : i32, i32
  }
  func.func @transform_3(%arg0: i32) -> (i32, i32) {
    %c0_i32 = arith.constant 0 : i32
    %c0_i32_0 = arith.constant 0 : i32
    %c0_i32_1 = arith.constant 0 : i32
    return %c0_i32, %c0_i32_0 : i32, i32
  }
  func.func @transform_4(%arg0: i32) -> (i32, i32) {
    %c0_i32 = arith.constant 0 : i32
    %c0_i32_0 = arith.constant 0 : i32
    return %arg0, %c0_i32 : i32, i32
  }
}

module attributes {stable_mosaic.version = 14 : i64} {
  func.func @_poolhead_body(%arg0: memref<64xi32, #tpu.memory_space<smem>>, %arg1: memref<10000xi32, #tpu.memory_space<smem>>, %arg2: memref<10000x128xf32, #tpu.memory_space<vmem>>, %arg3: memref<2x128xf32, #tpu.memory_space<vmem>>, %arg4: memref<1x128xf32, #tpu.memory_space<vmem>>, %arg5: memref<1x128xf32, #tpu.memory_space<vmem>>, %arg6: memref<10000x1xi32, #tpu.memory_space<vmem>>, %arg7: memref<384x384xf32, #tpu.memory_space<vmem>>, %arg8: memref<1x384xf32, #tpu.memory_space<vmem>>, %arg9: memref<384x10xf32, #tpu.memory_space<vmem>>, %arg10: memref<1x10xf32, #tpu.memory_space<vmem>>, %arg11: memref<64x10xf32, #tpu.memory_space<vmem>>, %arg12: memref<64x128xf32, #tpu.memory_space<vmem>>, %arg13: memref<64x128xf32, #tpu.memory_space<vmem>>, %arg14: memref<64x128xf32, #tpu.memory_space<vmem>>, %arg15: memref<64x128xf32, #tpu.memory_space<vmem>>) attributes {dimension_semantics = [], scalar_prefetch = 0 : i64, scratch_operands = 4 : i64, tpu.core_type = #tpu.core_type<tc>} {
    %broadcast_in_dim3A = arith.constant 0xFF800000 : f32
    %broadcast_in_dim3A_0 = vector.broadcast %broadcast_in_dim3A : f32 to vector<64x128xf32>
    %swap3A = arith.constant 0 : index
    %swap3A_1 = arith.constant 0 : index
    %swap3A_2 = vector.load %arg12[%swap3A, %swap3A_1] : memref<64x128xf32, #tpu.memory_space<vmem>>, vector<64x128xf32>
    tpu.vector_store %arg12[%swap3A, %swap3A_1], %broadcast_in_dim3A_0 {strides = array<i32>} : memref<64x128xf32, #tpu.memory_space<vmem>>, vector<64x128xf32>,
    %broadcast_in_dim3A_3 = arith.constant 0.000000e+00 : f32
    %broadcast_in_dim3A_4 = vector.broadcast %broadcast_in_dim3A_3 : f32 to vector<64x128xf32>
    %swap3A_5 = arith.constant 0 : index
    %swap3A_6 = arith.constant 0 : index
    %swap3A_7 = vector.load %arg13[%swap3A_5, %swap3A_6] : memref<64x128xf32, #tpu.memory_space<vmem>>, vector<64x128xf32>
    tpu.vector_store %arg13[%swap3A_5, %swap3A_6], %broadcast_in_dim3A_4 {strides = array<i32>} : memref<64x128xf32, #tpu.memory_space<vmem>>, vector<64x128xf32>,
    %broadcast_in_dim3A_8 = arith.constant 0.000000e+00 : f32
    %broadcast_in_dim3A_9 = vector.broadcast %broadcast_in_dim3A_8 : f32 to vector<64x128xf32>
    %swap3A_10 = arith.constant 0 : index
    %swap3A_11 = arith.constant 0 : index
    %swap3A_12 = vector.load %arg14[%swap3A_10, %swap3A_11] : memref<64x128xf32, #tpu.memory_space<vmem>>, vector<64x128xf32>
    tpu.vector_store %arg14[%swap3A_10, %swap3A_11], %broadcast_in_dim3A_9 {strides = array<i32>} : memref<64x128xf32, #tpu.memory_space<vmem>>, vector<64x128xf32>,
    %get3A = arith.constant 0 : index
    %get3A_13 = arith.constant 0 : index
    %get3A_14 = vector.load %arg3[%get3A, %get3A_13] : memref<2x128xf32, #tpu.memory_space<vmem>>, vector<1x128xf32>
    %mul3A = arith.constant 9.99999974E-5 : f32
    %mul3A_15 = vector.broadcast %mul3A : f32 to vector<1x128xf32>
    %mul3A_16 = arith.mulf %get3A_14, %mul3A_15 : vector<1x128xf32>
    %get3A_17 = arith.constant 1 : index
    %get3A_18 = arith.constant 0 : index
    %get3A_19 = vector.load %arg3[%get3A_17, %get3A_18] : memref<2x128xf32, #tpu.memory_space<vmem>>, vector<1x128xf32>
    %mul3A_20 = arith.constant 9.99999974E-5 : f32
    %mul3A_21 = vector.broadcast %mul3A_20 : f32 to vector<1x128xf32>
    %mul3A_22 = arith.mulf %get3A_19, %mul3A_21 : vector<1x128xf32>
    %mul3A_23 = arith.mulf %mul3A_16, %mul3A_16 : vector<1x128xf32>
    %sub3A = arith.subf %mul3A_22, %mul3A_23 : vector<1x128xf32>
    %add3A = arith.constant 9.99999974E-6 : f32
    %add3A_24 = vector.broadcast %add3A : f32 to vector<1x128xf32>
    %add3A_25 = arith.addf %sub3A, %add3A_24 : vector<1x128xf32>
    %rsqrt3A = math.rsqrt %add3A_25 : vector<1x128xf32>
    %get3A_26 = arith.constant 0 : index
    %get3A_27 = arith.constant 0 : index
    %get3A_28 = vector.load %arg4[%get3A_26, %get3A_27] : memref<1x128xf32, #tpu.memory_space<vmem>>, vector<1x128xf32>
    %get3A_29 = arith.constant 0 : index
    %get3A_30 = arith.constant 0 : index
    %get3A_31 = vector.load %arg5[%get3A_29, %get3A_30] : memref<1x128xf32, #tpu.memory_space<vmem>>, vector<1x128xf32>
    %scan3A = arith.constant 0 : i32
    %scan3A_32 = arith.constant 10 : i32
    %scan3A_33 = arith.addi %scan3A, %scan3A_32 : i32
    %scan3A_34 = arith.constant 1 : i32
    scf.for %scan3A_94 = %scan3A to %scan3A_33 step %scan3A_34  : i32 {
      %mul3A_95 = arith.constant 1000 : i32
      %mul3A_96 = arith.muli %scan3A_94, %mul3A_95 : i32
      %get3A_97 = arith.index_cast %mul3A_96 : i32 to index
      %get3A_98 = arith.constant 0 : index
      %get3A_99 = vector.load %arg2[%get3A_97, %get3A_98] : memref<10000x128xf32, #tpu.memory_space<vmem>>, vector<1000x128xf32>
      %sub3A_100 = vector.broadcast %mul3A_16 : vector<1x128xf32> to vector<1000x128xf32>
      %sub3A_101 = arith.subf %get3A_99, %sub3A_100 : vector<1000x128xf32>
      %mul3A_102 = vector.broadcast %rsqrt3A : vector<1x128xf32> to vector<1000x128xf32>
      %mul3A_103 = arith.mulf %sub3A_101, %mul3A_102 : vector<1000x128xf32>
      %mul3A_104 = vector.broadcast %get3A_28 : vector<1x128xf32> to vector<1000x128xf32>
      %mul3A_105 = arith.mulf %mul3A_103, %mul3A_104 : vector<1000x128xf32>
      %add3A_106 = vector.broadcast %get3A_31 : vector<1x128xf32> to vector<1000x128xf32>
      %add3A_107 = arith.addf %mul3A_105, %add3A_106 : vector<1000x128xf32>
      %mul3A_108 = arith.constant 1000 : i32
      %mul3A_109 = arith.muli %scan3A_94, %mul3A_108 : i32
      %get3A_110 = arith.index_cast %mul3A_109 : i32 to index
      %get3A_111 = arith.constant 0 : index
      %get3A_112 = vector.load %arg6[%get3A_110, %get3A_111] : memref<10000x1xi32, #tpu.memory_space<vmem>>, vector<1000x1xi32>
      %mul3A_113 = arith.constant 1000 : i32
      %mul3A_114 = arith.muli %scan3A_94, %mul3A_113 : i32
      %get3A_115 = arith.index_cast %mul3A_114 : i32 to index
      %get3A_116 = memref.load %arg1[%get3A_115] : memref<10000xi32, #tpu.memory_space<smem>>
      %mul3A_117 = arith.constant 1000 : i32
      %mul3A_118 = arith.muli %scan3A_94, %mul3A_117 : i32
      %add3A_119 = arith.constant 1000 : i32
      %add3A_120 = arith.addi %mul3A_118, %add3A_119 : i32
      %sub3A_121 = arith.constant 1 : i32
      %sub3A_122 = arith.subi %add3A_120, %sub3A_121 : i32
      %get3A_123 = arith.index_cast %sub3A_122 : i32 to index
      %get3A_124 = memref.load %arg1[%get3A_123] : memref<10000xi32, #tpu.memory_space<smem>>
      %add3A_125 = arith.constant 1 : i32
      %add3A_126 = arith.addi %get3A_124, %add3A_125 : i32
      %while3A = arith.constant 0 : i32
      %while3A_127 = arith.subi %add3A_126, %get3A_116 : i32
      %while3A_128 = arith.addi %get3A_116, %while3A_127 : i32
      %while3A_129 = arith.constant 1 : i32
      %while3A_130 = arith.divsi %while3A_127, %while3A_129 : i32
      %while3A_131 = arith.muli %while3A_130, %while3A_129 : i32
      %while3A_132 = arith.addi %get3A_116, %while3A_131 : i32
      %while3A_133 = arith.constant 1 : i32
      scf.for %while3A_135 = %get3A_116 to %while3A_132 step %while3A_133  : i32 {
        %eq3A = vector.broadcast %while3A_135 : i32 to vector<1000x1xi32>
        %eq3A_136 = arith.cmpi eq, %get3A_112, %eq3A : vector<1000x1xi32>
        %jit3A = arith.constant 0xFF800000 : f32
        %broadcast_in_dim3A_137 = vector.shape_cast %eq3A_136 : vector<1000x1xi1> to vector<1000x1xi1>
        %broadcast_in_dim3A_138 = vector.broadcast %broadcast_in_dim3A_137 : vector<1000x1xi1> to vector<1000x128xi1>
        %broadcast_in_dim3A_139 = vector.broadcast %jit3A : f32 to vector<1000x128xf32>
        %select_n3A = arith.select %broadcast_in_dim3A_138, %add3A_107, %broadcast_in_dim3A_139 : vector<1000x128xi1>, vector<1000x128xf32>
        %reduce_max3A_140 = arith.constant dense<0xFF800000> : vector<128xf32>
        %reduce_max3A_141 = vector.multi_reduction <maximumf>, %select_n3A, %reduce_max3A_140 [0] : vector<1000x128xf32> to vector<128xf32>
        %broadcast_in_dim3A_142 = vector.shape_cast %reduce_max3A_141 : vector<128xf32> to vector<1x128xf32>
        %jit3A_143 = arith.constant 0.000000e+00 : f32
        %broadcast_in_dim3A_144 = vector.shape_cast %eq3A_136 : vector<1000x1xi1> to vector<1000x1xi1>
        %broadcast_in_dim3A_145 = vector.broadcast %broadcast_in_dim3A_144 : vector<1000x1xi1> to vector<1000x128xi1>
        %broadcast_in_dim3A_146 = vector.broadcast %jit3A_143 : f32 to vector<1000x128xf32>
        %select_n3A_147 = arith.select %broadcast_in_dim3A_145, %add3A_107, %broadcast_in_dim3A_146 : vector<1000x128xi1>, vector<1000x128xf32>
        %reduce_sum3A_148 = arith.constant dense<0.000000e+00> : vector<128xf32>
        %reduce_sum3A_149 = vector.multi_reduction <add>, %select_n3A_147, %reduce_sum3A_148 [0] : vector<1000x128xf32> to vector<128xf32>
        %broadcast_in_dim3A_150 = vector.shape_cast %reduce_sum3A_149 : vector<128xf32> to vector<1x128xf32>
        %convert_element_type3A = arith.extui %eq3A_136 : vector<1000x1xi1> to vector<1000x1xi32>
        %convert_element_type3A_151 = arith.sitofp %convert_element_type3A : vector<1000x1xi32> to vector<1000x1xf32>
        %reduce_sum3A_152 = vector.shape_cast %convert_element_type3A_151 : vector<1000x1xf32> to vector<1x1000x1xf32>
        %reduce_sum3A_153 = arith.constant dense<0.000000e+00> : vector<1xf32>
        %reduce_sum3A_154 = vector.multi_reduction <add>, %reduce_sum3A_152, %reduce_sum3A_153 [1, 2] : vector<1x1000x1xf32> to vector<1xf32>
        %reduce_sum3A_155 = vector.shape_cast %reduce_sum3A_154 : vector<1xf32> to vector<1x1x1xf32>
        %reduce_sum3A_156 = vector.extract %reduce_sum3A_155[0, 0, 0] : f32 from vector<1x1x1xf32>
        %get3A_157 = arith.index_cast %while3A_135 : i32 to index
        %get3A_158 = arith.constant 0 : index
        %get3A_159 = vector.load %arg12[%get3A_157, %get3A_158] : memref<64x128xf32, #tpu.memory_space<vmem>>, vector<1x128xf32>
        %max3A_160 = arith.maximumf %get3A_159, %broadcast_in_dim3A_142 : vector<1x128xf32>
        %swap3A_161 = arith.index_cast %while3A_135 : i32 to index
        %swap3A_162 = arith.constant 0 : index
        %swap3A_163 = vector.load %arg12[%swap3A_161, %swap3A_162] : memref<64x128xf32, #tpu.memory_space<vmem>>, vector<1x128xf32>
        tpu.vector_store %arg12[%swap3A_161, %swap3A_162], %max3A_160 {strides = array<i32>} : memref<64x128xf32, #tpu.memory_space<vmem>>, vector<1x128xf32>,
        %get3A_164 = arith.index_cast %while3A_135 : i32 to index
        %get3A_165 = arith.constant 0 : index
        %get3A_166 = vector.load %arg13[%get3A_164, %get3A_165] : memref<64x128xf32, #tpu.memory_space<vmem>>, vector<1x128xf32>
        %add3A_167 = arith.addf %get3A_166, %broadcast_in_dim3A_150 : vector<1x128xf32>
        %swap3A_168 = arith.index_cast %while3A_135 : i32 to index
        %swap3A_169 = arith.constant 0 : index
        %swap3A_170 = vector.load %arg13[%swap3A_168, %swap3A_169] : memref<64x128xf32, #tpu.memory_space<vmem>>, vector<1x128xf32>
        tpu.vector_store %arg13[%swap3A_168, %swap3A_169], %add3A_167 {strides = array<i32>} : memref<64x128xf32, #tpu.memory_space<vmem>>, vector<1x128xf32>,
        %get3A_171 = arith.index_cast %while3A_135 : i32 to index
        %get3A_172 = arith.constant 0 : index
        %get3A_173 = vector.load %arg14[%get3A_171, %get3A_172] : memref<64x128xf32, #tpu.memory_space<vmem>>, vector<1x128xf32>
        %add3A_174 = vector.broadcast %reduce_sum3A_156 : f32 to vector<1x128xf32>
        %add3A_175 = arith.addf %get3A_173, %add3A_174 : vector<1x128xf32>
        %swap3A_176 = arith.index_cast %while3A_135 : i32 to index
        %swap3A_177 = arith.constant 0 : index
        %swap3A_178 = vector.load %arg14[%swap3A_176, %swap3A_177] : memref<64x128xf32, #tpu.memory_space<vmem>>, vector<1x128xf32>
        tpu.vector_store %arg14[%swap3A_176, %swap3A_177], %add3A_175 {strides = array<i32>} : memref<64x128xf32, #tpu.memory_space<vmem>>, vector<1x128xf32>,
      }
      %while3A_134 = arith.constant 1 : i32
      scf.for %while3A_135 = %while3A_132 to %while3A_128 step %while3A_134  : i32 {
        %eq3A = vector.broadcast %while3A_135 : i32 to vector<1000x1xi32>
        %eq3A_136 = arith.cmpi eq, %get3A_112, %eq3A : vector<1000x1xi32>
        %jit3A = arith.constant 0xFF800000 : f32
        %broadcast_in_dim3A_137 = vector.shape_cast %eq3A_136 : vector<1000x1xi1> to vector<1000x1xi1>
        %broadcast_in_dim3A_138 = vector.broadcast %broadcast_in_dim3A_137 : vector<1000x1xi1> to vector<1000x128xi1>
        %broadcast_in_dim3A_139 = vector.broadcast %jit3A : f32 to vector<1000x128xf32>
        %select_n3A = arith.select %broadcast_in_dim3A_138, %add3A_107, %broadcast_in_dim3A_139 : vector<1000x128xi1>, vector<1000x128xf32>
        %reduce_max3A_140 = arith.constant dense<0xFF800000> : vector<128xf32>
        %reduce_max3A_141 = vector.multi_reduction <maximumf>, %select_n3A, %reduce_max3A_140 [0] : vector<1000x128xf32> to vector<128xf32>
        %broadcast_in_dim3A_142 = vector.shape_cast %reduce_max3A_141 : vector<128xf32> to vector<1x128xf32>
        %jit3A_143 = arith.constant 0.000000e+00 : f32
        %broadcast_in_dim3A_144 = vector.shape_cast %eq3A_136 : vector<1000x1xi1> to vector<1000x1xi1>
        %broadcast_in_dim3A_145 = vector.broadcast %broadcast_in_dim3A_144 : vector<1000x1xi1> to vector<1000x128xi1>
        %broadcast_in_dim3A_146 = vector.broadcast %jit3A_143 : f32 to vector<1000x128xf32>
        %select_n3A_147 = arith.select %broadcast_in_dim3A_145, %add3A_107, %broadcast_in_dim3A_146 : vector<1000x128xi1>, vector<1000x128xf32>
        %reduce_sum3A_148 = arith.constant dense<0.000000e+00> : vector<128xf32>
        %reduce_sum3A_149 = vector.multi_reduction <add>, %select_n3A_147, %reduce_sum3A_148 [0] : vector<1000x128xf32> to vector<128xf32>
        %broadcast_in_dim3A_150 = vector.shape_cast %reduce_sum3A_149 : vector<128xf32> to vector<1x128xf32>
        %convert_element_type3A = arith.extui %eq3A_136 : vector<1000x1xi1> to vector<1000x1xi32>
        %convert_element_type3A_151 = arith.sitofp %convert_element_type3A : vector<1000x1xi32> to vector<1000x1xf32>
        %reduce_sum3A_152 = vector.shape_cast %convert_element_type3A_151 : vector<1000x1xf32> to vector<1x1000x1xf32>
        %reduce_sum3A_153 = arith.constant dense<0.000000e+00> : vector<1xf32>
        %reduce_sum3A_154 = vector.multi_reduction <add>, %reduce_sum3A_152, %reduce_sum3A_153 [1, 2] : vector<1x1000x1xf32> to vector<1xf32>
        %reduce_sum3A_155 = vector.shape_cast %reduce_sum3A_154 : vector<1xf32> to vector<1x1x1xf32>
        %reduce_sum3A_156 = vector.extract %reduce_sum3A_155[0, 0, 0] : f32 from vector<1x1x1xf32>
        %get3A_157 = arith.index_cast %while3A_135 : i32 to index
        %get3A_158 = arith.constant 0 : index
        %get3A_159 = vector.load %arg12[%get3A_157, %get3A_158] : memref<64x128xf32, #tpu.memory_space<vmem>>, vector<1x128xf32>
        %max3A_160 = arith.maximumf %get3A_159, %broadcast_in_dim3A_142 : vector<1x128xf32>
        %swap3A_161 = arith.index_cast %while3A_135 : i32 to index
        %swap3A_162 = arith.constant 0 : index
        %swap3A_163 = vector.load %arg12[%swap3A_161, %swap3A_162] : memref<64x128xf32, #tpu.memory_space<vmem>>, vector<1x128xf32>
        tpu.vector_store %arg12[%swap3A_161, %swap3A_162], %max3A_160 {strides = array<i32>} : memref<64x128xf32, #tpu.memory_space<vmem>>, vector<1x128xf32>,
        %get3A_164 = arith.index_cast %while3A_135 : i32 to index
        %get3A_165 = arith.constant 0 : index
        %get3A_166 = vector.load %arg13[%get3A_164, %get3A_165] : memref<64x128xf32, #tpu.memory_space<vmem>>, vector<1x128xf32>
        %add3A_167 = arith.addf %get3A_166, %broadcast_in_dim3A_150 : vector<1x128xf32>
        %swap3A_168 = arith.index_cast %while3A_135 : i32 to index
        %swap3A_169 = arith.constant 0 : index
        %swap3A_170 = vector.load %arg13[%swap3A_168, %swap3A_169] : memref<64x128xf32, #tpu.memory_space<vmem>>, vector<1x128xf32>
        tpu.vector_store %arg13[%swap3A_168, %swap3A_169], %add3A_167 {strides = array<i32>} : memref<64x128xf32, #tpu.memory_space<vmem>>, vector<1x128xf32>,
        %get3A_171 = arith.index_cast %while3A_135 : i32 to index
        %get3A_172 = arith.constant 0 : index
        %get3A_173 = vector.load %arg14[%get3A_171, %get3A_172] : memref<64x128xf32, #tpu.memory_space<vmem>>, vector<1x128xf32>
        %add3A_174 = vector.broadcast %reduce_sum3A_156 : f32 to vector<1x128xf32>
        %add3A_175 = arith.addf %get3A_173, %add3A_174 : vector<1x128xf32>
        %swap3A_176 = arith.index_cast %while3A_135 : i32 to index
        %swap3A_177 = arith.constant 0 : index
        %swap3A_178 = vector.load %arg14[%swap3A_176, %swap3A_177] : memref<64x128xf32, #tpu.memory_space<vmem>>, vector<1x128xf32>
        tpu.vector_store %arg14[%swap3A_176, %swap3A_177], %add3A_175 {strides = array<i32>} : memref<64x128xf32, #tpu.memory_space<vmem>>, vector<1x128xf32>,
      }
    }
    %scan3A_35 = arith.constant 10 : i32
    %scan3A_36 = arith.constant 0 : i32
    %scan3A_37 = arith.constant 64 : i32
    %scan3A_38 = arith.addi %scan3A_36, %scan3A_37 : i32
    %scan3A_39 = arith.constant 1 : i32
    scf.for %scan3A_94 = %scan3A_36 to %scan3A_38 step %scan3A_39  : i32 {
      %get3A_95 = arith.index_cast %scan3A_94 : i32 to index
      %get3A_96 = memref.load %arg0[%get3A_95] : memref<64xi32, #tpu.memory_space<smem>>
      %get3A_97 = arith.index_cast %get3A_96 : i32 to index
      %get3A_98 = arith.constant 0 : index
      %get3A_99 = vector.load %arg2[%get3A_97, %get3A_98] : memref<10000x128xf32, #tpu.memory_space<vmem>>, vector<1x128xf32>
      %swap3A_100 = arith.index_cast %scan3A_94 : i32 to index
      %swap3A_101 = arith.constant 0 : index
      %swap3A_102 = vector.load %arg15[%swap3A_100, %swap3A_101] : memref<64x128xf32, #tpu.memory_space<vmem>>, vector<1x128xf32>
      tpu.vector_store %arg15[%swap3A_100, %swap3A_101], %get3A_99 {strides = array<i32>} : memref<64x128xf32, #tpu.memory_space<vmem>>, vector<1x128xf32>,
    }
    %scan3A_40 = arith.constant 64 : i32
    %get3A_41 = arith.constant 0 : index
    %get3A_42 = arith.constant 0 : index
    %get3A_43 = vector.load %arg15[%get3A_41, %get3A_42] : memref<64x128xf32, #tpu.memory_space<vmem>>, vector<64x128xf32>
    %sub3A_44 = vector.broadcast %mul3A_16 : vector<1x128xf32> to vector<64x128xf32>
    %sub3A_45 = arith.subf %get3A_43, %sub3A_44 : vector<64x128xf32>
    %mul3A_46 = vector.broadcast %rsqrt3A : vector<1x128xf32> to vector<64x128xf32>
    %mul3A_47 = arith.mulf %sub3A_45, %mul3A_46 : vector<64x128xf32>
    %mul3A_48 = vector.broadcast %get3A_28 : vector<1x128xf32> to vector<64x128xf32>
    %mul3A_49 = arith.mulf %mul3A_47, %mul3A_48 : vector<64x128xf32>
    %add3A_50 = vector.broadcast %get3A_31 : vector<1x128xf32> to vector<64x128xf32>
    %add3A_51 = arith.addf %mul3A_49, %add3A_50 : vector<64x128xf32>
    %get3A_52 = arith.constant 0 : index
    %get3A_53 = arith.constant 0 : index
    %get3A_54 = vector.load %arg13[%get3A_52, %get3A_53] : memref<64x128xf32, #tpu.memory_space<vmem>>, vector<64x128xf32>
    %get3A_55 = arith.constant 0 : index
    %get3A_56 = arith.constant 0 : index
    %get3A_57 = vector.load %arg14[%get3A_55, %get3A_56] : memref<64x128xf32, #tpu.memory_space<vmem>>, vector<64x128xf32>
    %max3A = arith.constant 1.000000e+00 : f32
    %max3A_58 = vector.broadcast %max3A : f32 to vector<64x128xf32>
    %max3A_59 = arith.maximumf %get3A_57, %max3A_58 : vector<64x128xf32>
    %div3A = arith.divf %get3A_54, %max3A_59 : vector<64x128xf32>
    %get3A_60 = arith.constant 0 : index
    %get3A_61 = arith.constant 0 : index
    %get3A_62 = vector.load %arg12[%get3A_60, %get3A_61] : memref<64x128xf32, #tpu.memory_space<vmem>>, vector<64x128xf32>
    %concatenate3A = tpu.concatenate %get3A_62, %div3A, %add3A_51 in 1 : vector<64x128xf32>, vector<64x128xf32>, vector<64x128xf32> -> vector<64x384xf32>
    %get3A_63 = arith.constant 0 : index
    %get3A_64 = arith.constant 0 : index
    %get3A_65 = vector.load %arg7[%get3A_63, %get3A_64] : memref<384x384xf32, #tpu.memory_space<vmem>>, vector<384x384xf32>
    %dot_general3A = arith.constant dense<0.000000e+00> : vector<64x384xf32>
    %dot_general3A_66 = tpu.matmul %concatenate3A, %get3A_65, %dot_general3A {dimension_numbers = #tpu.dot_dimension_numbers<[1], [0], [0], [1], [0, 0, 1, 1], [], []>, transpose_lhs_hint = false} : vector<64x384xf32>, vector<384x384xf32>, vector<64x384xf32> -> vector<64x384xf32>
    %get3A_67 = arith.constant 0 : index
    %get3A_68 = arith.constant 0 : index
    %get3A_69 = vector.load %arg8[%get3A_67, %get3A_68] : memref<1x384xf32, #tpu.memory_space<vmem>>, vector<1x384xf32>
    %add3A_70 = vector.broadcast %get3A_69 : vector<1x384xf32> to vector<64x384xf32>
    %add3A_71 = arith.addf %dot_general3A_66, %add3A_70 : vector<64x384xf32>
    %get3A_72 = arith.constant 0 : index
    %get3A_73 = arith.constant 0 : index
    %get3A_74 = vector.load %arg9[%get3A_72, %get3A_73] : memref<384x10xf32, #tpu.memory_space<vmem>>, vector<384x10xf32>
    %dot_general3A_75 = arith.constant dense<0.000000e+00> : vector<64x10xf32>
    %dot_general3A_76 = tpu.matmul %add3A_71, %get3A_74, %dot_general3A_75 {dimension_numbers = #tpu.dot_dimension_numbers<[1], [0], [0], [1], [0, 0, 1, 1], [], []>, transpose_lhs_hint = false} : vector<64x384xf32>, vector<384x10xf32>, vector<64x10xf32> -> vector<64x10xf32>
    %get3A_77 = arith.constant 0 : index
    %get3A_78 = arith.constant 0 : index
    %get3A_79 = vector.load %arg10[%get3A_77, %get3A_78] : memref<1x10xf32, #tpu.memory_space<vmem>>, vector<1x10xf32>
    %add3A_80 = vector.broadcast %get3A_79 : vector<1x10xf32> to vector<64x10xf32>
    %add3A_81 = arith.addf %dot_general3A_76, %add3A_80 : vector<64x10xf32>
    %reduce_max3A = arith.constant dense<0xFF800000> : vector<64xf32>
    %reduce_max3A_82 = vector.multi_reduction <maximumf>, %add3A_81, %reduce_max3A [1] : vector<64x10xf32> to vector<64xf32>
    %broadcast_in_dim3A_83 = vector.shape_cast %reduce_max3A_82 : vector<64xf32> to vector<64x1xf32>
    %sub3A_84 = vector.broadcast %broadcast_in_dim3A_83 : vector<64x1xf32> to vector<64x10xf32>
    %sub3A_85 = arith.subf %add3A_81, %sub3A_84 : vector<64x10xf32>
    %exp3A = math.exp %sub3A_85 : vector<64x10xf32>
    %reduce_sum3A = arith.constant dense<0.000000e+00> : vector<64xf32>
    %reduce_sum3A_86 = vector.multi_reduction <add>, %exp3A, %reduce_sum3A [1] : vector<64x10xf32> to vector<64xf32>
    %broadcast_in_dim3A_87 = vector.shape_cast %reduce_sum3A_86 : vector<64xf32> to vector<64x1xf32>
    %log3A = math.log %broadcast_in_dim3A_87 : vector<64x1xf32>
    %add3A_88 = arith.addf %log3A, %broadcast_in_dim3A_83 : vector<64x1xf32>
    %sub3A_89 = vector.broadcast %add3A_88 : vector<64x1xf32> to vector<64x10xf32>
    %sub3A_90 = arith.subf %add3A_81, %sub3A_89 : vector<64x10xf32>
    %swap3A_91 = arith.constant 0 : index
    %swap3A_92 = arith.constant 0 : index
    %swap3A_93 = vector.load %arg11[%swap3A_91, %swap3A_92] : memref<64x10xf32, #tpu.memory_space<vmem>>, vector<64x10xf32>
    tpu.vector_store %arg11[%swap3A_91, %swap3A_92], %sub3A_90 {strides = array<i32>} : memref<64x10xf32, #tpu.memory_space<vmem>>, vector<64x10xf32>,
    return
  }
}

</mosaic_0001>

<sc_bundles>
// kernel: kernel.12.cloned.1.call-start
scs
__scs_entry_jumppad:
0x0: {  	(pc) =	sbr.rel $0x88, $3  }
0x1: {  	(tag) =	ssettag $0x0;
	lr =	simm.s32 $0x1  }
0x2: {  	[smem:$0x3F90] =	sst lr;
	_ =	strace $0xD0000000  }
0x3: {  	_ = 	snop  }
0x4: {  	_ = 	snop  }
0x5: {  	_ = 	snop  }
0x6: {  	_ = 	snop  }
0x7: {  	_ = 	snop  }
__scs_overlays_trampoline_lowered:
0x8: {  	[smem:$0x3F9F] =	sst s0  }
0x9: {  	[smem:$0x3FA0] =	sst s1  }
0xa: {  	[smem:$0x3FA1] =	sst s2  }
0xb: {  	[smem:$0x3FA2] =	sst s3  }
0xc: {  	[smem:$0x3FA3] =	sst s4  }
0xd: {  	[smem:$0x3FA4] =	sst s5  }
0xe: {  	[smem:$0x3FA5] =	sst s6  }
0xf: {  	[smem:$0x3FA6] =	sst s7  }
0x10: {  	[smem:$0x3FA7] =	sst s8  }
0x11: {  	[smem:$0x3FA8] =	sst s9;
	s0 =	simm.s32 @!p0 $0x0  }
0x12: {  	s1 =	sld [smem:$0x3F8E];
	s0 =	simm.s32 @p0 $0x1  }
0x13: {  	[smem:$0x3FA9] =	sst s0;
	s0 =	simm.s32 @!p1 $0x0  }
0x14: {  	s2 =	sld [smem:$0x3F8D];
	s0 =	simm.s32 @p1 $0x1  }
0x15: {  	[smem:$0x3FAA] =	sst s0;
	s0 =	simm.s32 @!p2 $0x0  }
0x16: {  	s3 =	sld [smem:$0x3FDB];
	s0 =	simm.s32 @p2 $0x1  }
0x17: {  	s4 =	simm.s32 $0x1BF5;
	[smem:$0x3FAC] =	sst s0  }
0x18: {  	s0 =	sld [smem:$0x3F8F];
	_ =	swait.ge [sflag:s4], $0x0  }
0x19: {  	s7 =	sld [smem:$0x3F90]  }
0x1a: {  	s8 =	sadd.s32 $0xFFFFE003, lr  }
0x1b: {  	s9 =	sadd.s32 $0xFFFFFEF7, lr;
	s5 =	simm.s32 $0xFFFFFFFF;
	p2 =	slt.u32 s8, $0xFFFFF086  }
0x1c: {  	p1 =	slt.u32 s9, $0xF7A;
	s5 =	simm.s32 @!p2 $0x0  }
0x1d: {  	s5 =	simm.s32 @p1 $0x1;
	p0 =	seq.s32 s7, s2  }
0x1e: {  	s7 =	smul.u32 @!p0 $0xF7A, s2;
	p2 =	seq.s32 @!p0 s5, $0x0  }
0x1f: {  	s9 =	smul.u32 $0xF7A, s1;
	s8 =	simm.s32 @!p0 $0x1BF5;
	p2 =	por !p2, p0  }
0x20: {  	[sflag:s8] =	ssyncset.s32 @!p0 $0xFFFFF086;
	s6 =	sadd.s32 @!p0 s3, s7;
	s7 =	simm.s32 @!p0 $0x108  }
0x21: {  	s3 =	sadd.s32 s3, s9;
	s6 =	sadd.s32 @!p0 $0x88, s6;
	s7 =	simm.s32 @p2 $0x1082  }
0x22: {  	[simem:s7], [sflag:s8] =	dma.local @!p0 [hbm:s6], $0xF7A  }
0x23: {  	s9 =	sor.u32 $0xD0000000, s2;
	s6 =	simm.s32 $0x108;
	_ =	swait.ge @!p0 [sflag:s8], $0x0  }
0x24: {  	s3 =	sadd.s32 $0x88, s3;
	s6 =	simm.s32 @!p1 $0x1082;
	[sflag:s4] =	ssyncset.s32 $0xFFFFF086  }
0x25: {  	[simem:s6], [sflag:s4] =	dma.local [hbm:s3], $0xF7A  }
0x26: {  	[smem:$0x3F90] =	sst s1;
	(tag) =	ssettag s2;
	_ =	strace s9  }
0x27: {  	s1 =	sld [smem:$0x3FA0]  }
0x28: {  	s2 =	sld [smem:$0x3FA1]  }
0x29: {  	s4 =	sld [smem:$0x3FA3]  }
0x2a: {  	p0 =	seq.s32 s5, $0x0;
	s5 =	sld [smem:$0x3FA4]  }
0x2b: {  	s6 =	sld [smem:$0x3FA5]  }
0x2c: {  	s7 =	sld [smem:$0x3FA6]  }
0x2d: {  	s3 =	simm.s32 $0x108;
	s8 =	sld [smem:$0x3FA7]  }
0x2e: {  	s3 =	simm.s32 @!p0 $0x1082;
	s9 =	sld [smem:$0x3FA8]  }
0x2f: {  	lr =	sadd.s32 s0, s3;
	s0 =	sld [smem:$0x3F9F]  }
0x30: {  	s3 =	sld [smem:$0x3FA2]  }
0x31: {  	[smem:$0x3FAB] =	sst s10  }
0x32: {  	s10 =	sld [smem:$0x3FA9];
	_ =	sdelay $0x3  }
0x33: {  	p0 =	seq.s32 s10, $0x1;
	s10 =	sld [smem:$0x3FAB];
	_ =	sdelay $0x3  }
0x34: {  	[smem:$0x3FAB] =	sst s10  }
0x35: {  	s10 =	sld [smem:$0x3FAA];
	_ =	sdelay $0x3  }
0x36: {  	p1 =	seq.s32 s10, $0x1;
	s10 =	sld [smem:$0x3FAB];
	_ =	sdelay $0x3  }
0x37: {  	[smem:$0x3FAB] =	sst s10  }
0x38: {  	s10 =	sld [smem:$0x3FAC]  }
0x39: {  	_ = 	snop;
	(pc) =	sbr.ind lr, $3  }
0x3a: {  	_ = 	snop  }
0x3b: {  	_ = 	snop  }
0x3c: {  	p2 =	seq.s32 s10, $0x1;
	s10 =	sld [smem:$0x3FAB]  }
0x3d: {  	_ =	shalt  }
0x3e: {  	_ =	shalt  }
0x3f: {  	_ =	shalt  }
0x40: {  	_ =	shalt  }
0x41: {  	_ =	shalt  }
0x42: {  	_ =	shalt  }
0x43: {  	_ =	shalt  }
0x44: {  	_ =	shalt  }
0x45: {  	_ =	shalt  }
0x46: {  	_ =	shalt  }
0x47: {  	_ =	shalt  }
0x48: {  	_ =	shalt  }
0x49: {  	_ =	shalt  }
0x4a: {  	_ =	shalt  }
0x4b: {  	_ =	shalt  }
0x4c: {  	_ =	shalt  }
0x4d: {  	_ =	shalt  }
0x4e: {  	_ =	shalt  }
0x4f: {  	_ =	shalt  }
0x50: {  	_ =	shalt  }
0x51: {  	_ =	shalt  }
0x52: {  	_ =	shalt  }
0x53: {  	_ =	shalt  }
0x54: {  	_ =	shalt  }
0x55: {  	_ =	shalt  }
0x56: {  	_ =	shalt  }
0x57: {  	_ =	shalt  }
0x58: {  	_ =	shalt  }
0x59: {  	_ =	shalt  }
0x5a: {  	_ =	shalt  }
0x5b: {  	_ =	shalt  }
0x5c: {  	_ =	shalt  }
0x5d: {  	_ =	shalt  }
0x5e: {  	_ =	shalt  }
0x5f: {  	_ =	shalt  }
0x60: {  	_ =	shalt  }
0x61: {  	_ =	shalt  }
0x62: {  	_ =	shalt  }
0x63: {  	_ =	shalt  }
0x64: {  	_ =	shalt  }
0x65: {  	_ =	shalt  }
0x66: {  	_ =	shalt  }
0x67: {  	_ =	shalt  }
0x68: {  	_ =	shalt  }
0x69: {  	_ =	shalt  }
0x6a: {  	_ =	shalt  }
0x6b: {  	_ =	shalt  }
0x6c: {  	_ =	shalt  }
0x6d: {  	_ =	shalt  }
0x6e: {  	_ =	shalt  }
0x6f: {  	_ =	shalt  }
0x70: {  	_ =	shalt  }
0x71: {  	_ =	shalt  }
0x72: {  	_ =	shalt  }
0x73: {  	_ =	shalt  }
0x74: {  	_ =	shalt  }
0x75: {  	_ =	shalt  }
0x76: {  	_ =	shalt  }
0x77: {  	_ =	shalt  }
0x78: {  	_ =	shalt  }
0x79: {  	_ =	shalt  }
0x7a: {  	_ =	shalt  }
0x7b: {  	_ =	shalt  }
0x7c: {  	_ =	shalt  }
0x7d: {  	_ =	shalt  }
0x7e: {  	_ =	shalt  }
0x7f: {  	_ =	shalt  }
0x80: {  	_ =	shalt  }
0x81: {  	_ =	shalt  }
0x82: {  	_ =	shalt  }
0x83: {  	_ =	shalt  }
0x84: {  	_ =	shalt  }
0x85: {  	_ =	shalt  }
0x86: {  	_ =	shalt  }
0x87: {  	_ =	shalt  }
.Lfunc_end0:
.L_simem_size_0:
called_computation.1_lowered:
.L_overlay_start_0:
0x88: {  	s2 =	sld [smem:$0x3FD9]  }
0x89: {  	s3 =	sld [smem:$0x3FFE];
	_ =	sdelay $0x1  }
0x8a: {  	s1 =	srdreg.scid  }
0x8b: {  	s0 =	sand.u32 $0x1, s1  }
0x8c: {  	s16 =	sshll.u32 s0, $0xA;
	s2 =	sadd.s32 s3, s2  }
0x8d: {  	s2 =	sadd.s32 s2, s16  }
0x8e: {  	[smem:$0x3FB7] =	sst s2  }
0x8f: {  	_ = 	snop  }
0x90: {  	(tm) =	ssettm $0x1  }
0x91: {  	s17 =	sld [smem:$0x3FFB];
	_ =	sdelay $0x3  }
0x92: {  	_ =	strace s17  }
0x93: {  	s2 =	sld [smem:$0x3FFC];
	_ =	sdelay $0x3  }
0x94: {  	_ =	strace s2  }
0x95: {  	s2 =	sld [smem:$0x3FFD];
	_ =	sdelay $0x3  }
0x96: {  	_ =	strace s2  }
0x97: {  	_ =	strace $0x8FFFFFFF  }
0x98: {  	s18 =	sld [smem:$0x3FDB];
	_ =	sdelay $0x1  }
0x99: {  	s19 =	simm.s32 $_scs_section_size  }
0x9a: {  	s4 =	simm.s32 $_size__tile_overlayer_lowered;
	s5 =	simm.s32 $_tile_overlayer_lowered  }
0x9b: {  	s22 =	simm.s32 $0x1BFF;
	s21 =	sshll.u32 s5, $0x1;
	s2 =	sadd.s32 s19, s18  }
0x9c: {  	s6 =	simm.s32 $0x0;
	s20 =	sshll.u32 s4, $0x1;
	s4 =	sadd.s32 s21, s2  }
0x9d: {  	[timem:s6], [sflag:s22] =	dma.local [hbm:s4], s20  }
0x9e: {  	_ =	swait.ge [sflag:s22], s20  }
0x9f: {  	s3 =	ssub.s32 $0x0, s20;
	[sflag:s22] =	ssyncset.done $0x0  }
0xa0: {  	[sflag:s22] =	ssyncadd.s32 s3;
	_ =	sdelay $0x1  }
0xa1: {  	s23 =	simm.s32 $0x1B8B  }
0xa2: {  	_ =	swait.ge [sflag:s23], $0x1  }
0xa3: {  	[sflag:s23] =	ssyncset.done $0x0  }
0xa4: {  	s25 =	simm.s32 $0x1B8E;
	s24 =	sld [smem:$0x3FFE];
	[sflag:s23] =	ssyncadd.s32 $0xFFFFFFFF  }
0xa5: {  	s26 =	simm.s32 $execute0_lowered;
	[smem:$0x3FD2] =	sst s25  }
0xa6: {  	s4 =	sshll.u32 s26, $0x1;
	_ =	strace $0x80000049;
	[dreg:$0x1] =	wrdreg $0xFFFFFFFF  }
0xa7: {  	s28 =	simm.s32 $_size_execute0_lowered;
	s2 =	sadd.s32 s2, s4;
	[dreg:$0x0] =	wrdreg $0x0  }
0xa8: {  	s4 =	sshll.u32 s28, $0x1;
	[dreg:$0x2] =	wrdreg s2  }
0xa9: {  	[dreg:$0x3] =	wrdreg s4  }
0xaa: {  	[dreg:$0x4] =	wrdreg $0xC0  }
0xab: {  	_ =	task [dreg:s6], $0x5FFFF  }
0xac: {  	[dreg:$0x1] =	wrdreg $0xFFFFFFFF  }
0xad: {  	[dreg:$0x0] =	wrdreg $0x60  }
0xae: {  	[dreg:$0x2] =	wrdreg s24  }
0xaf: {  	[dreg:$0x3] =	wrdreg $0xA8000  }
0xb0: {  	[dreg:$0x4] =	wrdreg $0x9  }
0xb1: {  	_ =	task.clear_ibuf [dreg:s6], $0x5FFFF;
	_ =	strace $0x90000049  }
0xb2: {  	s29 =	simm.s32 $0x9;
	_ =	strace $0x8000004B  }
0xb3: {  	_ =	swait.ge [sflag:s29], $0x1  }
0xb4: {  	[sflag:s29] =	ssyncadd.s32 $0xFFFFFFFF  }
0xb5: {  	_ =	strace $0x9000004B  }
0xb6: {  	_ =	sfence  }
0xb7: {  	s30 =	sld [smem:$0x0];
	_ =	sdelay $0x2  }
0xb8: {  	s31 =	sshll.u32 s1, $0xD;
	s1 =	sshrl.u32 s1, $0x2  }
0xb9: {  	s3 =	sand.u32 $0x4000, s31;
	s1 =	sadd.s32 s1, s30  }
0xba: {  	s0 =	sor.u32 s3, s0;
	s1 =	sshll.u32 s1, $0x11  }
0xbb: {  	s0 =	sor.u32 s1, s0  }
0xbc: {  	s0 =	sadd.s32 $0x8F2B, s0  }
0xbd: {  	[sflag:s0] =	ssyncadd.remote.s32 $0x1  }
0xbe: {  	_ =	sfence.sel $0xFFFF  }
0xbf: {  	[dreg:$0x0] =	wrdreg $0xFFFFFFFF;
	(pc) =	sbr.abs _section_cstart, $3  }
0xc0: {  	[dreg:$0x1] =	wrdreg $0xFFFFFFFF  }
0xc1: {  	_ =	task.clear_ibuf [dreg:s6], $0x2FFFF;
	_ =	strace $0x9FFFFFFF  }
0xc2: {  	(tm) =	ssettm $0x7FFFFFFF  }
0xc3: {  	_ =	shalt  }
tec
execute0_lowered:
.L_overlay_start_1:
0x0: {  	(tag) =	ssettag $0x1  }
0x1: {  	s6 =	rddreg [dreg:$0x0]  }
0x2: {  	s2 =	rddreg [dreg:$0x1]  }
0x3: {  	s0 =	rddreg [dreg:$0x2]  }
0x4: {  	s4 =	srdreg.scid;
	s3 =	simm.s32 $0x0;
	s1 =	stileid.u32  }
0x5: {  	s16 =	simm.s32 $0x50;
	s17 =	simm.s32 $0x8000;
	s18 =	simm.s32 $0x1  }
0x6: {  	s19 =	simm.s32 $0x0;
	s7 =	sand.u32 $0x1, s4;
	[smem:$0x7FF] =	sst s3  }
0x7: {  	s26 =	sshll.u32 s1, $0xC;
	s4 =	sadd.s32 $0x25A00, s6;
	s9 =	smul.u32 $0x4E000, s1  }
0x8: {  	s12 =	smul.u32 $0x13800, s1;
	s13 =	sadd.s32 $0x4CC00, s6;
	s15 =	sadd.s32 $0x124800, s2  }
0x9: {  	p0 =	seq.s32 s1, $0xF;
	s5 =	sshll.u32 s7, $0xB;
	_ =	strace $0x8000004A  }
0xa: {  	s10 =	ssub.s32 $0x2, s7;
	s11 =	smul.u32 $0x138800, s7;
	s5 =	sor.u32 s5, s26  }
0xb: {  	s28 =	sshrl.u32 s10, $0x1;
	s9 =	sshrl.u32 s9, $0x2;
	s8 =	sadd.s32 s5, s6  }
0xc: {  	s5 =	sadd.s32 $0x23200, s6;
	s10 =	ssub.s32 s10, s28;
	s14 =	sadd.s32 s9, s2  }
0xd: {  	s29 =	sadd.s32 s12, s11;
	s31 =	sshrl.u32 s11, $0x3;
	s12 =	sshll.u32 @!p0 s1, $0x6  }
0xe: {  	s11 =	sshrl.u32 @p0 s15, $0x3;
	s15 =	simm.s32 $0x4000;
	s6 =	sadd.s32 $0x13200, s8  }
0xf: {  	s7 =	sadd.s32 $0x3200, s8;
	s30 =	sshrl.u32 s29, $0x3;
	s9 =	sadd.s32 s13, s31  }
0x10: {  	s10 =	smax.u32 s10, $0x1;
	s12 =	sor.u32 @!p0 $0x1C02, s12;
	s8 =	sadd.s32 s13, s30  }
0x11: {  	s9 =	sadd.s32 $0x24900, s9;
	s13 =	sshrl.u32 @!p0 s14, $0x3;
	s14 =	simm.s32 $0x2  }
.LBB2_1:
0x12: {  	s20 =	simm.s32 @p0 $0x1FC2  }
0x13: {  	[spmem:s11], [sflag:s20] =	dma.local @p0 [hbm:s5], $0x2800  }
0x14: {  	s20 =	simm.s32 @p0 $0x2  }
0x15: {  	_ =	swait.ge @p0 [sflag:s20], $0x2800  }
0x16: {  	[sflag:s20] =	ssyncset.done @p0 $0x0  }
0x17: {  	[sflag:s20] =	ssyncadd.s32 @p0 $0xFFFFD800;
	s20 =	simm.s32 @!p0 $0x2  }
0x18: {  	[spmem:s13], [sflag:s12] =	dma.local @!p0 [hbm:s5], $0x2700  }
0x19: {  	_ =	swait.ge @!p0 [sflag:s20], $0x2700  }
0x1a: {  	[sflag:s20] =	ssyncset.done @!p0 $0x0  }
0x1b: {  	[sflag:s20] =	ssyncadd.s32 @!p0 $0xFFFFD900  }
0x1c: {  	[tilespmem:s3], [sflag:$0x2] =	stream.linear.gather [hbm4b:s6+s3], $0x3E80, $0x38;
	[tilespmem:$0x1E080] =	vst v63  }
0x1d: {  	_ =	swait.ge [sflag:s14], $0x3E80  }
0x1e: {  	[sflag:s14] =	ssyncset.done $0x0  }
0x1f: {  	[sflag:s14] =	ssyncadd.s32 $0xFFFFC180  }
0x20: {  	[tilespmem:s15], [sflag:$0x2] =	stream.linear.gather [hbm4b:s7+s3], $0x3E80, $0x38;
	[tilespmem:$0x1E080] =	vst v63  }
0x21: {  	_ =	swait.ge [sflag:s14], $0x3E80  }
0x22: {  	[sflag:s14] =	ssyncset.done $0x0  }
0x23: {  	[sflag:s14] =	ssyncadd.s32 $0xFFFFC180  }
0x24: {  	s30 =	simm.s32 $0x0;
	[bflag:$0x0] =	sbarrier.arrive $0xFFFF  }
0x25: {  	[tilespmem:s17], [sflag:$0x1] =	stream.indirect.gather [hbm4b:s4+s16], $0x80, s30, s16, $0xb8;
	[tilespmem:$0x1E080] =	vst v63  }
0x26: {  	_ =	swait.ge [sflag:s18], $0x2800  }
0x27: {  	[sflag:s18] =	ssyncset.done $0x0  }
0x28: {  	s31 =	simm.s32 $0x4000;
	[sflag:s18] =	ssyncadd.s32 $0xFFFFD800  }
0x29: {  	[spmem:s2] =	stream.indirect.scatter.add.f32 [tilespmem:s17], [sflag:$0x2], $0x80, s31, s16, $0xb8;
	[tilespmem:$0x1E080] =	vst v63  }
0x2a: {  	_ =	swait.ge [sflag:s14], $0x2800  }
0x2b: {  	s21 =	simm.s32 $0x400;
	s20 =	simm.s32 $0x200;
	[sflag:s14] =	ssyncset.done $0x0  }
.LBB2_2:
0x2c: {  	s22 =	sshra.s32 s20, $0x2  }
0x2d: {  	[sflag:s14] =	ssyncadd.s32 $0xFFFFD800;
	s20 =	smov.u32 s21;
	s23 =	sadd.s32 $0x200, s21  }
0x2e: {  	[tilespmem:s17], [sflag:$0x1] =	stream.indirect.gather [hbm4b:s4+s16], $0x80, s22, s16, $0xb8;
	[tilespmem:$0x1E080] =	vst v63  }
0x2f: {  	p1 =	sne.s32 s21, $0xF800;
	_ =	swait.ge [sflag:s18], $0x2800  }
.Ltmp0:
0x30: {  	[sflag:s18] =	ssyncset.done $0x0;
	(pc) =	sbr.rel @p1 .LBB2_2-.Ltmp0, $4  }
0x31: {  	s21 =	sadd.s32 $0x4000, s22;
	[sflag:s18] =	ssyncadd.s32 $0xFFFFD800  }
0x32: {  	[spmem:s2] =	stream.indirect.scatter.add.f32 [tilespmem:s17], [sflag:$0x2], $0x80, s21, s16, $0xb8;
	[tilespmem:$0x1E080] =	vst v63  }
0x33: {  	_ =	swait.ge [sflag:s14], $0x2800  }
0x34: {  	s21 =	smov.u32 s23;
	[sflag:s14] =	ssyncset.done $0x0  }
0x35: {  	s20 =	sshra.s32 s20, $0x2;
	[sflag:s14] =	ssyncadd.s32 $0xFFFFD800  }
0x36: {  	[tilespmem:s17], [sflag:$0x1] =	stream.indirect.gather [hbm4b:s4+s16], $0x80, s20, s16, $0xb8;
	[tilespmem:$0x1E080] =	vst v63  }
0x37: {  	_ =	swait.ge [sflag:s18], $0x2800  }
0x38: {  	[sflag:s18] =	ssyncset.done $0x0  }
0x39: {  	s20 =	sadd.s32 $0x4000, s20;
	[sflag:s18] =	ssyncadd.s32 $0xFFFFD800  }
0x3a: {  	[spmem:s2] =	stream.indirect.scatter.add.f32 [tilespmem:s17], [sflag:$0x2], $0x80, s20, s16, $0xb8;
	[tilespmem:$0x1E080] =	vst v63  }
0x3b: {  	_ =	swait.ge [sflag:s14], $0x2800  }
0x3c: {  	[sflag:s14] =	ssyncset.done $0x0  }
0x3d: {  	[sflag:s14] =	ssyncadd.s32 $0xFFFFD800  }
0x3e: {  	s20 =	simm.s32 @p0 $0x1FC2;
	[bflag:$0x0] =	sbarrier.arrive $0xFFFF  }
0x3f: {  	[hbm:s9], [sflag:s20] =	dma.local @p0 [spmem:s11], $0x2800  }
0x40: {  	s20 =	simm.s32 @p0 $0x2  }
0x41: {  	s19 =	sadd.s32 $0x1, s19;
	_ =	swait.ge @p0 [sflag:s20], $0x2800  }
0x42: {  	p1 =	sne.s32 s19, s10;
	[sflag:s20] =	ssyncset.done @p0 $0x0  }
.Ltmp1:
0x43: {  	[sflag:s20] =	ssyncadd.s32 @p0 $0xFFFFD800;
	s20 =	simm.s32 @!p0 $0x2;
	(pc) =	sbr.rel @p1 .LBB2_1-.Ltmp1, $4  }
0x44: {  	[hbm:s8], [sflag:s12] =	dma.local @!p0 [spmem:s13], $0x2700  }
0x45: {  	_ =	swait.ge @!p0 [sflag:s20], $0x2700  }
0x46: {  	[sflag:s20] =	ssyncset.done @!p0 $0x0  }
0x47: {  	[sflag:s20] =	ssyncadd.s32 @!p0 $0xFFFFD900  }
0x48: {  	_ =	sfence.sel $0x180000  }
0x49: {  	[bflag:$0x0] =	sbarrier.arrive $0xFFFF  }
0x4a: {  	p0 =	sne.s32 s1, $0x0;
	_ =	strace $0x9000004A  }
0x4b: {  	s0 =	sadd.s32 @!p0 $0x100000, s0;
	[bflag:$0x2] =	sbarrier.arrive $0xFFFF  }
0x4c: {  	[sflag:s0] =	ssyncadd.tile.s32 @!p0 $0x1;
	_ =	shalt  }
.Lfunc_end2:
_tile_overlayer_lowered:
.L_overlay_start_2:
0x4d: {  	(tag) =	ssettag $0x2  }
0x4e: {  	s0 =	rddreg [dreg:$0x0];
	s2 =	stileid.u32  }
0x4f: {  	s1 =	rddreg [dreg:$0x1];
	p0 =	sne.s32 s2, $0x0  }
0x50: {  	s3 =	rddreg [dreg:$0x2];
	[bflag:$0x3] =	sbarrier.arrive $0xFFFF;
	s2 =	simm.s32 @!p0 $0x1C02  }
0x51: {  	[timem:s3], [sflag:s2] =	dma.local @!p0 [hbm:s0], s1  }
0x52: {  	s0 =	simm.s32 @!p0 $0x2  }
0x53: {  	_ =	swait.ge @!p0 [sflag:s0], s1  }
0x54: {  	s1 =	ssub.s32 @!p0 $0x0, s1;
	[sflag:s0] =	ssyncset.done @!p0 $0x0  }
0x55: {  	[sflag:s0] =	ssyncadd.s32 @!p0 s1  }
0x56: {  	[bflag:$0x3] =	sbarrier.arrive $0xFFFF  }
0x57: {  	_ =	shalt  }

// kernel: kernel.9.cloned.1.call-start
scs
__scs_entry_jumppad:
0x0: {  	(pc) =	sbr.rel $0x88, $3  }
0x1: {  	(tag) =	ssettag $0x0;
	lr =	simm.s32 $0x1  }
0x2: {  	[smem:$0x3F90] =	sst lr;
	_ =	strace $0xD0000000  }
0x3: {  	_ = 	snop  }
0x4: {  	_ = 	snop  }
0x5: {  	_ = 	snop  }
0x6: {  	_ = 	snop  }
0x7: {  	_ = 	snop  }
__scs_overlays_trampoline_lowered:
0x8: {  	[smem:$0x3F9F] =	sst s0  }
0x9: {  	[smem:$0x3FA0] =	sst s1  }
0xa: {  	[smem:$0x3FA1] =	sst s2  }
0xb: {  	[smem:$0x3FA2] =	sst s3  }
0xc: {  	[smem:$0x3FA3] =	sst s4  }
0xd: {  	[smem:$0x3FA4] =	sst s5  }
0xe: {  	[smem:$0x3FA5] =	sst s6  }
0xf: {  	[smem:$0x3FA6] =	sst s7  }
0x10: {  	[smem:$0x3FA7] =	sst s8  }
0x11: {  	[smem:$0x3FA8] =	sst s9;
	s0 =	simm.s32 @!p0 $0x0  }
0x12: {  	s1 =	sld [smem:$0x3F8E];
	s0 =	simm.s32 @p0 $0x1  }
0x13: {  	[smem:$0x3FA9] =	sst s0;
	s0 =	simm.s32 @!p1 $0x0  }
0x14: {  	s2 =	sld [smem:$0x3F8D];
	s0 =	simm.s32 @p1 $0x1  }
0x15: {  	[smem:$0x3FAA] =	sst s0;
	s0 =	simm.s32 @!p2 $0x0  }
0x16: {  	s3 =	sld [smem:$0x3FDB];
	s0 =	simm.s32 @p2 $0x1  }
0x17: {  	s4 =	simm.s32 $0x1BF5;
	[smem:$0x3FAC] =	sst s0  }
0x18: {  	s0 =	sld [smem:$0x3F8F];
	_ =	swait.ge [sflag:s4], $0x0  }
0x19: {  	s7 =	sld [smem:$0x3F90]  }
0x1a: {  	s8 =	sadd.s32 $0xFFFFE003, lr  }
0x1b: {  	s9 =	sadd.s32 $0xFFFFFEF7, lr;
	s5 =	simm.s32 $0xFFFFFFFF;
	p2 =	slt.u32 s8, $0xFFFFF086  }
0x1c: {  	p1 =	slt.u32 s9, $0xF7A;
	s5 =	simm.s32 @!p2 $0x0  }
0x1d: {  	s5 =	simm.s32 @p1 $0x1;
	p0 =	seq.s32 s7, s2  }
0x1e: {  	s7 =	smul.u32 @!p0 $0xF7A, s2;
	p2 =	seq.s32 @!p0 s5, $0x0  }
0x1f: {  	s9 =	smul.u32 $0xF7A, s1;
	s8 =	simm.s32 @!p0 $0x1BF5;
	p2 =	por !p2, p0  }
0x20: {  	[sflag:s8] =	ssyncset.s32 @!p0 $0xFFFFF086;
	s6 =	sadd.s32 @!p0 s3, s7;
	s7 =	simm.s32 @!p0 $0x108  }
0x21: {  	s3 =	sadd.s32 s3, s9;
	s6 =	sadd.s32 @!p0 $0x88, s6;
	s7 =	simm.s32 @p2 $0x1082  }
0x22: {  	[simem:s7], [sflag:s8] =	dma.local @!p0 [hbm:s6], $0xF7A  }
0x23: {  	s9 =	sor.u32 $0xD0000000, s2;
	s6 =	simm.s32 $0x108;
	_ =	swait.ge @!p0 [sflag:s8], $0x0  }
0x24: {  	s3 =	sadd.s32 $0x88, s3;
	s6 =	simm.s32 @!p1 $0x1082;
	[sflag:s4] =	ssyncset.s32 $0xFFFFF086  }
0x25: {  	[simem:s6], [sflag:s4] =	dma.local [hbm:s3], $0xF7A  }
0x26: {  	[smem:$0x3F90] =	sst s1;
	(tag) =	ssettag s2;
	_ =	strace s9  }
0x27: {  	s1 =	sld [smem:$0x3FA0]  }
0x28: {  	s2 =	sld [smem:$0x3FA1]  }
0x29: {  	s4 =	sld [smem:$0x3FA3]  }
0x2a: {  	p0 =	seq.s32 s5, $0x0;
	s5 =	sld [smem:$0x3FA4]  }
0x2b: {  	s6 =	sld [smem:$0x3FA5]  }
0x2c: {  	s7 =	sld [smem:$0x3FA6]  }
0x2d: {  	s3 =	simm.s32 $0x108;
	s8 =	sld [smem:$0x3FA7]  }
0x2e: {  	s3 =	simm.s32 @!p0 $0x1082;
	s9 =	sld [smem:$0x3FA8]  }
0x2f: {  	lr =	sadd.s32 s0, s3;
	s0 =	sld [smem:$0x3F9F]  }
0x30: {  	s3 =	sld [smem:$0x3FA2]  }
0x31: {  	[smem:$0x3FAB] =	sst s10  }
0x32: {  	s10 =	sld [smem:$0x3FA9];
	_ =	sdelay $0x3  }
0x33: {  	p0 =	seq.s32 s10, $0x1;
	s10 =	sld [smem:$0x3FAB];
	_ =	sdelay $0x3  }
0x34: {  	[smem:$0x3FAB] =	sst s10  }
0x35: {  	s10 =	sld [smem:$0x3FAA];
	_ =	sdelay $0x3  }
0x36: {  	p1 =	seq.s32 s10, $0x1;
	s10 =	sld [smem:$0x3FAB];
	_ =	sdelay $0x3  }
0x37: {  	[smem:$0x3FAB] =	sst s10  }
0x38: {  	s10 =	sld [smem:$0x3FAC]  }
0x39: {  	_ = 	snop;
	(pc) =	sbr.ind lr, $3  }
0x3a: {  	_ = 	snop  }
0x3b: {  	_ = 	snop  }
0x3c: {  	p2 =	seq.s32 s10, $0x1;
	s10 =	sld [smem:$0x3FAB]  }
0x3d: {  	_ =	shalt  }
0x3e: {  	_ =	shalt  }
0x3f: {  	_ =	shalt  }
0x40: {  	_ =	shalt  }
0x41: {  	_ =	shalt  }
0x42: {  	_ =	shalt  }
0x43: {  	_ =	shalt  }
0x44: {  	_ =	shalt  }
0x45: {  	_ =	shalt  }
0x46: {  	_ =	shalt  }
0x47: {  	_ =	shalt  }
0x48: {  	_ =	shalt  }
0x49: {  	_ =	shalt  }
0x4a: {  	_ =	shalt  }
0x4b: {  	_ =	shalt  }
0x4c: {  	_ =	shalt  }
0x4d: {  	_ =	shalt  }
0x4e: {  	_ =	shalt  }
0x4f: {  	_ =	shalt  }
0x50: {  	_ =	shalt  }
0x51: {  	_ =	shalt  }
0x52: {  	_ =	shalt  }
0x53: {  	_ =	shalt  }
0x54: {  	_ =	shalt  }
0x55: {  	_ =	shalt  }
0x56: {  	_ =	shalt  }
0x57: {  	_ =	shalt  }
0x58: {  	_ =	shalt  }
0x59: {  	_ =	shalt  }
0x5a: {  	_ =	shalt  }
0x5b: {  	_ =	shalt  }
0x5c: {  	_ =	shalt  }
0x5d: {  	_ =	shalt  }
0x5e: {  	_ =	shalt  }
0x5f: {  	_ =	shalt  }
0x60: {  	_ =	shalt  }
0x61: {  	_ =	shalt  }
0x62: {  	_ =	shalt  }
0x63: {  	_ =	shalt  }
0x64: {  	_ =	shalt  }
0x65: {  	_ =	shalt  }
0x66: {  	_ =	shalt  }
0x67: {  	_ =	shalt  }
0x68: {  	_ =	shalt  }
0x69: {  	_ =	shalt  }
0x6a: {  	_ =	shalt  }
0x6b: {  	_ =	shalt  }
0x6c: {  	_ =	shalt  }
0x6d: {  	_ =	shalt  }
0x6e: {  	_ =	shalt  }
0x6f: {  	_ =	shalt  }
0x70: {  	_ =	shalt  }
0x71: {  	_ =	shalt  }
0x72: {  	_ =	shalt  }
0x73: {  	_ =	shalt  }
0x74: {  	_ =	shalt  }
0x75: {  	_ =	shalt  }
0x76: {  	_ =	shalt  }
0x77: {  	_ =	shalt  }
0x78: {  	_ =	shalt  }
0x79: {  	_ =	shalt  }
0x7a: {  	_ =	shalt  }
0x7b: {  	_ =	shalt  }
0x7c: {  	_ =	shalt  }
0x7d: {  	_ =	shalt  }
0x7e: {  	_ =	shalt  }
0x7f: {  	_ =	shalt  }
0x80: {  	_ =	shalt  }
0x81: {  	_ =	shalt  }
0x82: {  	_ =	shalt  }
0x83: {  	_ =	shalt  }
0x84: {  	_ =	shalt  }
0x85: {  	_ =	shalt  }
0x86: {  	_ =	shalt  }
0x87: {  	_ =	shalt  }
.Lfunc_end0:
.L_simem_size_0:
called_computation_lowered:
.L_overlay_start_0:
0x88: {  	s2 =	sld [smem:$0x3FD9]  }
0x89: {  	s3 =	sld [smem:$0x3FFE];
	_ =	sdelay $0x1  }
0x8a: {  	s1 =	srdreg.scid  }
0x8b: {  	s0 =	sand.u32 $0x1, s1  }
0x8c: {  	s17 =	sshll.u32 s0, $0xA;
	s2 =	sadd.s32 s3, s2  }
0x8d: {  	s2 =	sadd.s32 s2, s17  }
0x8e: {  	[smem:$0x3FB7] =	sst s2  }
0x8f: {  	_ = 	snop  }
0x90: {  	s2 =	sld [smem:$0x3FC9];
	(tm) =	ssettm $0x1  }
0x91: {  	s18 =	sld [smem:$0x3FFB];
	_ =	sdelay $0x3  }
0x92: {  	_ =	strace s18  }
0x93: {  	s3 =	sld [smem:$0x3FFC];
	_ =	sdelay $0x3  }
0x94: {  	_ =	strace s3  }
0x95: {  	s3 =	sld [smem:$0x3FFD];
	_ =	sdelay $0x3  }
0x96: {  	_ =	strace s3  }
0x97: {  	_ =	strace $0x8FFFFFFF  }
0x98: {  	s19 =	sld [smem:$0x3FDB];
	_ =	sdelay $0x1  }
0x99: {  	s4 =	simm.s32 $_scs_section_size  }
0x9a: {  	s5 =	simm.s32 $_size__tile_overlayer_lowered;
	s6 =	simm.s32 $_tile_overlayer_lowered  }
0x9b: {  	s22 =	simm.s32 $0x1BFF;
	s21 =	sshll.u32 s6, $0x1;
	s3 =	sadd.s32 s4, s19  }
0x9c: {  	s7 =	simm.s32 $0x0;
	s20 =	sshll.u32 s5, $0x1;
	s5 =	sadd.s32 s21, s3  }
0x9d: {  	[timem:s7], [sflag:s22] =	dma.local [hbm:s5], s20  }
0x9e: {  	_ =	swait.ge [sflag:s22], s20  }
0x9f: {  	s4 =	ssub.s32 $0x0, s20;
	[sflag:s22] =	ssyncset.done $0x0  }
0xa0: {  	[sflag:s22] =	ssyncadd.s32 s4;
	_ =	sdelay $0x1  }
0xa1: {  	s23 =	simm.s32 $0x1B8B  }
0xa2: {  	_ =	swait.ge [sflag:s23], $0x1  }
0xa3: {  	[sflag:s23] =	ssyncset.done $0x0  }
0xa4: {  	s25 =	simm.s32 $0x1B8E;
	s24 =	sld [smem:$0x3FFE];
	[sflag:s23] =	ssyncadd.s32 $0xFFFFFFFF  }
0xa5: {  	s26 =	simm.s32 $execute0_lowered;
	[smem:$0x3FD2] =	sst s25  }
0xa6: {  	s5 =	sshll.u32 s26, $0x1;
	_ =	strace $0x80000046;
	[dreg:$0x1] =	wrdreg $0xFFFFFFFF  }
0xa7: {  	s28 =	simm.s32 $_size_execute0_lowered;
	s3 =	sadd.s32 s3, s5;
	[dreg:$0x0] =	wrdreg $0x0  }
0xa8: {  	s5 =	sshll.u32 s28, $0x1;
	[dreg:$0x2] =	wrdreg s3  }
0xa9: {  	[dreg:$0x3] =	wrdreg s5  }
0xaa: {  	[dreg:$0x4] =	wrdreg $0xC0  }
0xab: {  	_ =	task [dreg:s7], $0x5FFFF  }
0xac: {  	[dreg:$0x1] =	wrdreg $0xFFFFFFFF  }
0xad: {  	[dreg:$0x0] =	wrdreg $0x60  }
0xae: {  	[dreg:$0x2] =	wrdreg s2  }
0xaf: {  	[dreg:$0x3] =	wrdreg s24  }
0xb0: {  	[dreg:$0x4] =	wrdreg $0xA8000  }
0xb1: {  	[dreg:$0x5] =	wrdreg $0x9  }
0xb2: {  	_ =	task.clear_ibuf [dreg:s7], $0x6FFFF;
	_ =	strace $0x90000046  }
0xb3: {  	s29 =	simm.s32 $0x9;
	_ =	strace $0x80000048  }
0xb4: {  	_ =	swait.ge [sflag:s29], $0x1  }
0xb5: {  	[sflag:s29] =	ssyncadd.s32 $0xFFFFFFFF  }
0xb6: {  	_ =	strace $0x90000048  }
0xb7: {  	_ =	sfence  }
0xb8: {  	s30 =	sld [smem:$0x0];
	_ =	sdelay $0x2  }
0xb9: {  	s31 =	sshll.u32 s1, $0xD;
	s1 =	sshrl.u32 s1, $0x2  }
0xba: {  	s3 =	sand.u32 $0x4000, s31;
	s1 =	sadd.s32 s1, s30  }
0xbb: {  	s0 =	sor.u32 s3, s0;
	s1 =	sshll.u32 s1, $0x11  }
0xbc: {  	s0 =	sor.u32 s1, s0  }
0xbd: {  	s0 =	sadd.s32 $0x8F2B, s0  }
0xbe: {  	[sflag:s0] =	ssyncadd.remote.s32 $0x1  }
0xbf: {  	_ =	sfence.sel $0xFFFF  }
0xc0: {  	[dreg:$0x0] =	wrdreg $0xFFFFFFFF;
	(pc) =	sbr.abs _section_cstart, $3  }
0xc1: {  	[dreg:$0x1] =	wrdreg $0xFFFFFFFF  }
0xc2: {  	_ =	task.clear_ibuf [dreg:s7], $0x2FFFF;
	_ =	strace $0x9FFFFFFF  }
0xc3: {  	(tm) =	ssettm $0x7FFFFFFF  }
tec
execute0_lowered:
.L_overlay_start_1:
0x0: {  	(tag) =	ssettag $0x1  }
0x1: {  	s1 =	rddreg [dreg:$0x0]  }
0x2: {  	s6 =	rddreg [dreg:$0x1]  }
0x3: {  	s3 =	rddreg [dreg:$0x2];
	s4 =	srdreg.scid  }
0x4: {  	s0 =	rddreg [dreg:$0x3];
	s2 =	stileid.u32  }
0x5: {  	s16 =	simm.s32 $0x50;
	s17 =	simm.s32 $0x8000;
	s18 =	simm.s32 $0x1  }
0x6: {  	s19 =	simm.s32 $0x0;
	s7 =	sand.u32 $0x1, s4;
	s9 =	smul.u32 $0x4E000, s2  }
0x7: {  	s4 =	simm.s32 $0x0;
	s5 =	sshll.u32 s2, $0xC;
	s12 =	smul.u32 $0x13800, s2  }
0x8: {  	s13 =	sadd.s32 $0x25A00, s6;
	s15 =	sadd.s32 $0x124800, s3;
	p0 =	seq.s32 s2, $0xF  }
0x9: {  	s8 =	sshll.u32 s7, $0xB;
	[smem:$0x7FF] =	sst s4;
	s10 =	ssub.s32 $0x2, s7  }
0xa: {  	s11 =	smul.u32 $0x138800, s7;
	s5 =	sor.u32 s8, s5;
	_ =	strace $0x80000047  }
0xb: {  	s28 =	sshrl.u32 s10, $0x1;
	s9 =	sshrl.u32 s9, $0x2;
	s8 =	sadd.s32 s5, s6  }
0xc: {  	s5 =	sadd.s32 $0x23200, s6;
	s10 =	ssub.s32 s10, s28;
	s14 =	sadd.s32 s9, s3  }
0xd: {  	s29 =	sadd.s32 s12, s11;
	s31 =	sshrl.u32 s11, $0x3;
	s12 =	sshll.u32 @!p0 s2, $0x6  }
0xe: {  	s11 =	sshrl.u32 @p0 s15, $0x3;
	s15 =	simm.s32 $0x4000;
	s6 =	sadd.s32 $0x13200, s8  }
0xf: {  	s7 =	sadd.s32 $0x3200, s8;
	s30 =	sshrl.u32 s29, $0x3;
	s9 =	sadd.s32 s13, s31  }
0x10: {  	s10 =	smax.u32 s10, $0x1;
	s12 =	sor.u32 @!p0 $0x1C02, s12;
	s8 =	sadd.s32 s13, s30  }
0x11: {  	s9 =	sadd.s32 $0x24900, s9;
	s13 =	sshrl.u32 @!p0 s14, $0x3;
	s14 =	simm.s32 $0x2  }
.LBB2_1:
0x12: {  	s20 =	simm.s32 @p0 $0x1FC2  }
0x13: {  	[spmem:s11], [sflag:s20] =	dma.local @p0 [hbm:s5], $0x2800  }
0x14: {  	s20 =	simm.s32 @p0 $0x2  }
0x15: {  	_ =	swait.ge @p0 [sflag:s20], $0x2800  }
0x16: {  	[sflag:s20] =	ssyncset.done @p0 $0x0  }
0x17: {  	[sflag:s20] =	ssyncadd.s32 @p0 $0xFFFFD800;
	s20 =	simm.s32 @!p0 $0x2  }
0x18: {  	[spmem:s13], [sflag:s12] =	dma.local @!p0 [hbm:s5], $0x2700  }
0x19: {  	_ =	swait.ge @!p0 [sflag:s20], $0x2700  }
0x1a: {  	[sflag:s20] =	ssyncset.done @!p0 $0x0  }
0x1b: {  	[sflag:s20] =	ssyncadd.s32 @!p0 $0xFFFFD900  }
0x1c: {  	[tilespmem:s4], [sflag:$0x2] =	stream.linear.gather [hbm4b:s6+s4], $0x3E80, $0x38;
	[tilespmem:$0x1E080] =	vst v63  }
0x1d: {  	_ =	swait.ge [sflag:s14], $0x3E80  }
0x1e: {  	[sflag:s14] =	ssyncset.done $0x0  }
0x1f: {  	[sflag:s14] =	ssyncadd.s32 $0xFFFFC180  }
0x20: {  	[tilespmem:s15], [sflag:$0x2] =	stream.linear.gather [hbm4b:s7+s4], $0x3E80, $0x38;
	[tilespmem:$0x1E080] =	vst v63  }
0x21: {  	_ =	swait.ge [sflag:s14], $0x3E80  }
0x22: {  	[sflag:s14] =	ssyncset.done $0x0  }
0x23: {  	[sflag:s14] =	ssyncadd.s32 $0xFFFFC180  }
0x24: {  	s30 =	simm.s32 $0x0;
	[bflag:$0x0] =	sbarrier.arrive $0xFFFF  }
0x25: {  	[tilespmem:s17], [sflag:$0x1] =	stream.indirect.gather [hbm4b:s1+s16], $0x80, s30, s16, $0xb8;
	[tilespmem:$0x1E080] =	vst v63  }
0x26: {  	_ =	swait.ge [sflag:s18], $0x2800  }
0x27: {  	[sflag:s18] =	ssyncset.done $0x0  }
0x28: {  	s31 =	simm.s32 $0x4000;
	[sflag:s18] =	ssyncadd.s32 $0xFFFFD800  }
0x29: {  	[spmem:s3] =	stream.indirect.scatter.add.f32 [tilespmem:s17], [sflag:$0x2], $0x80, s31, s16, $0xb8;
	[tilespmem:$0x1E080] =	vst v63  }
0x2a: {  	_ =	swait.ge [sflag:s14], $0x2800  }
0x2b: {  	s21 =	simm.s32 $0x400;
	s20 =	simm.s32 $0x200;
	[sflag:s14] =	ssyncset.done $0x0  }
.LBB2_2:
0x2c: {  	s22 =	sshra.s32 s20, $0x2  }
0x2d: {  	[sflag:s14] =	ssyncadd.s32 $0xFFFFD800;
	s20 =	smov.u32 s21;
	s23 =	sadd.s32 $0x200, s21  }
0x2e: {  	[tilespmem:s17], [sflag:$0x1] =	stream.indirect.gather [hbm4b:s1+s16], $0x80, s22, s16, $0xb8;
	[tilespmem:$0x1E080] =	vst v63  }
0x2f: {  	p1 =	sne.s32 s21, $0xF800;
	_ =	swait.ge [sflag:s18], $0x2800  }
.Ltmp0:
0x30: {  	[sflag:s18] =	ssyncset.done $0x0;
	(pc) =	sbr.rel @p1 .LBB2_2-.Ltmp0, $4  }
0x31: {  	s21 =	sadd.s32 $0x4000, s22;
	[sflag:s18] =	ssyncadd.s32 $0xFFFFD800  }
0x32: {  	[spmem:s3] =	stream.indirect.scatter.add.f32 [tilespmem:s17], [sflag:$0x2], $0x80, s21, s16, $0xb8;
	[tilespmem:$0x1E080] =	vst v63  }
0x33: {  	_ =	swait.ge [sflag:s14], $0x2800  }
0x34: {  	s21 =	smov.u32 s23;
	[sflag:s14] =	ssyncset.done $0x0  }
0x35: {  	s20 =	sshra.s32 s20, $0x2;
	[sflag:s14] =	ssyncadd.s32 $0xFFFFD800  }
0x36: {  	[tilespmem:s17], [sflag:$0x1] =	stream.indirect.gather [hbm4b:s1+s16], $0x80, s20, s16, $0xb8;
	[tilespmem:$0x1E080] =	vst v63  }
0x37: {  	_ =	swait.ge [sflag:s18], $0x2800  }
0x38: {  	[sflag:s18] =	ssyncset.done $0x0  }
0x39: {  	s20 =	sadd.s32 $0x4000, s20;
	[sflag:s18] =	ssyncadd.s32 $0xFFFFD800  }
0x3a: {  	[spmem:s3] =	stream.indirect.scatter.add.f32 [tilespmem:s17], [sflag:$0x2], $0x80, s20, s16, $0xb8;
	[tilespmem:$0x1E080] =	vst v63  }
0x3b: {  	_ =	swait.ge [sflag:s14], $0x2800  }
0x3c: {  	[sflag:s14] =	ssyncset.done $0x0  }
0x3d: {  	[sflag:s14] =	ssyncadd.s32 $0xFFFFD800  }
0x3e: {  	s20 =	simm.s32 @p0 $0x1FC2;
	[bflag:$0x0] =	sbarrier.arrive $0xFFFF  }
0x3f: {  	[hbm:s9], [sflag:s20] =	dma.local @p0 [spmem:s11], $0x2800  }
0x40: {  	s20 =	simm.s32 @p0 $0x2  }
0x41: {  	s19 =	sadd.s32 $0x1, s19;
	_ =	swait.ge @p0 [sflag:s20], $0x2800  }
0x42: {  	p1 =	sne.s32 s19, s10;
	[sflag:s20] =	ssyncset.done @p0 $0x0  }
.Ltmp1:
0x43: {  	[sflag:s20] =	ssyncadd.s32 @p0 $0xFFFFD800;
	s20 =	simm.s32 @!p0 $0x2;
	(pc) =	sbr.rel @p1 .LBB2_1-.Ltmp1, $4  }
0x44: {  	[hbm:s8], [sflag:s12] =	dma.local @!p0 [spmem:s13], $0x2700  }
0x45: {  	_ =	swait.ge @!p0 [sflag:s20], $0x2700  }
0x46: {  	[sflag:s20] =	ssyncset.done @!p0 $0x0  }
0x47: {  	[sflag:s20] =	ssyncadd.s32 @!p0 $0xFFFFD900  }
0x48: {  	_ =	sfence.sel $0x180000  }
0x49: {  	[bflag:$0x0] =	sbarrier.arrive $0xFFFF  }
0x4a: {  	p0 =	sne.s32 s2, $0x0;
	_ =	strace $0x90000047  }
0x4b: {  	s0 =	sadd.s32 @!p0 $0x100000, s0;
	[bflag:$0x2] =	sbarrier.arrive $0xFFFF  }
0x4c: {  	[sflag:s0] =	ssyncadd.tile.s32 @!p0 $0x1;
	_ =	shalt  }
.Lfunc_end2:
_tile_overlayer_lowered:
.L_overlay_start_2:
0x4d: {  	(tag) =	ssettag $0x2  }
0x4e: {  	s0 =	rddreg [dreg:$0x0];
	s2 =	stileid.u32  }
0x4f: {  	s1 =	rddreg [dreg:$0x1];
	p0 =	sne.s32 s2, $0x0  }
0x50: {  	s3 =	rddreg [dreg:$0x2];
	[bflag:$0x3] =	sbarrier.arrive $0xFFFF;
	s2 =	simm.s32 @!p0 $0x1C02  }
0x51: {  	[timem:s3], [sflag:s2] =	dma.local @!p0 [hbm:s0], s1  }
0x52: {  	s0 =	simm.s32 @!p0 $0x2  }
0x53: {  	_ =	swait.ge @!p0 [sflag:s0], s1  }
0x54: {  	s1 =	ssub.s32 @!p0 $0x0, s1;
	[sflag:s0] =	ssyncset.done @!p0 $0x0  }
0x55: {  	[sflag:s0] =	ssyncadd.s32 @!p0 s1  }
0x56: {  	[bflag:$0x3] =	sbarrier.arrive $0xFFFF  }
0x57: {  	_ =	shalt  }

</sc_bundles>
